<compile_context>
chip_gen: v7x
topology: tpu7x:2x2x1
jax: 0.10.2.dev20260603
libtpu: 0.0.44.dev20260713+nightly
codegen_flags: <defaults>
</compile_context>

<pallas_src>
import functools

import jax
import jax.numpy as jnp
from jax import lax
from jax.experimental import pallas as pl
from jax.experimental.pallas import tpu as pltpu
from jax.experimental.pallas import tpu_sc as plsc

NC = 2
NS = 16
K = 128
G = 32
LANES = 16


def _mesh():
    return plsc.VectorSubcoreMesh(core_axis_name="c", subcore_axis_name="s")


def _make_deg_kernel(n_pad, d, t_tile):
    rpt = n_pad // NS
    n_chunks = t_tile // K

    @functools.partial(
        pl.kernel,
        mesh=_mesh(),
        out_type=jax.ShapeDtypeStruct((NC, n_pad, d), jnp.float32),
        scratch_types=[
            pltpu.VMEM((K,), jnp.int32),
            pltpu.VMEM((K, d), jnp.float32),
            pltpu.VMEM_SHARED((n_pad, d), jnp.float32),
        ],
    )
    def deg_kernel(dst_hbm, ones_hbm, zeros_hbm, out_hbm, dstv, onesv, deg_sh):
        c = lax.axis_index("c")
        s = lax.axis_index("s")
        wid = c * NS + s
        pltpu.sync_copy(ones_hbm, onesv)
        pltpu.sync_copy(zeros_hbm, deg_sh.at[pl.ds(s * rpt, rpt)])
        plsc.subcore_barrier()
        base = wid * t_tile

        def body(i, carry):
            off = base + i * K
            pltpu.sync_copy(dst_hbm.at[pl.ds(off, K)], dstv)
            pltpu.sync_copy(onesv, deg_sh.at[dstv], add=True)
            return carry

        lax.fori_loop(0, n_chunks, body, 0)
        plsc.subcore_barrier()
        pltpu.sync_copy(deg_sh.at[pl.ds(s * rpt, rpt)],
                        out_hbm.at[c, pl.ds(s * rpt, rpt)])

    return deg_kernel


def _make_scatter_kernel(n_pad, d, t_tile):
    rpt = n_pad // NS
    n_chunks = t_tile // K

    @functools.partial(
        pl.kernel,
        mesh=_mesh(),
        out_type=jax.ShapeDtypeStruct((NC, n_pad, d), jnp.float32),
        scratch_types=[
            pltpu.VMEM((K,), jnp.int32),
            pltpu.VMEM((K,), jnp.int32),
            pltpu.VMEM((K, d), jnp.float32),
            pltpu.VMEM_SHARED((n_pad, d), jnp.float32),
            pltpu.SemaphoreType.DMA,
        ],
    )
    def scatter_kernel(g_hbm, src_hbm, dst_hbm, out_hbm,
                       srcv, dstv, rows, acc_sh, sem):
        c = lax.axis_index("c")
        s = lax.axis_index("s")
        wid = c * NS + s
        pltpu.sync_copy(g_hbm.at[pl.ds(s * rpt, rpt)],
                        acc_sh.at[pl.ds(s * rpt, rpt)])
        plsc.subcore_barrier()
        base = wid * t_tile

        def body(i, carry):
            off = base + i * K
            pltpu.sync_copy(src_hbm.at[pl.ds(off, K)], srcv)
            pltpu.sync_copy(dst_hbm.at[pl.ds(off, K)], dstv)
            pltpu.async_copy(g_hbm.at[srcv], rows, sem).wait()
            pltpu.sync_copy(rows, acc_sh.at[dstv], add=True)
            return carry

        lax.fori_loop(0, n_chunks, body, 0)
        plsc.subcore_barrier()
        pltpu.sync_copy(acc_sh.at[pl.ds(s * rpt, rpt)],
                        out_hbm.at[c, pl.ds(s * rpt, rpt)])

    return scatter_kernel


def _prep_body(n, n_pad):
    def body(degp_ref, x_ref, w_ref, dinv_ref, g_ref):
        deg = degp_ref[0, :, 0:1] + degp_ref[1, :, 0:1] + 1.0
        rowid = lax.broadcasted_iota(jnp.int32, (n_pad, 1), 0)
        dinv = jnp.where(rowid < n, lax.rsqrt(deg), 0.0)
        dinv_ref[...] = dinv
        g_ref[...] = jnp.dot(x_ref[...], w_ref[...],
                             preferred_element_type=jnp.float32) * dinv
    return body


def _mid_body(p_ref, g_ref, dinv_ref, b_ref, w_ref, o_ref):
    dinv = dinv_ref[...]
    acc = p_ref[0] + p_ref[1] - g_ref[...]
    h = jnp.maximum(acc * dinv + b_ref[...], 0.0)
    o_ref[...] = jnp.dot(h, w_ref[...],
                         preferred_element_type=jnp.float32) * dinv


def _final_body(p_ref, g_ref, dinv_ref, b_ref, batch_ref, wl_ref, bl_ref, o_ref):
    h = (p_ref[0] + p_ref[1] - g_ref[...]) * dinv_ref[...] + b_ref[...]
    gids = lax.broadcasted_iota(jnp.int32, (1, G), 1)
    onehot = (batch_ref[...] == gids).astype(jnp.float32)
    seg = lax.dot_general(onehot, h, (((0,), (0,)), ((), ())),
                          preferred_element_type=jnp.float32)
    cnt = jnp.sum(onehot, axis=0)[:, None]
    mean = seg / jnp.maximum(cnt, 1.0)
    o_ref[...] = jnp.dot(mean, wl_ref[...],
                         preferred_element_type=jnp.float32) + bl_ref[...]


def kernel(x, edge_index, batch, W1, b1, W2, b2, W3, b3, Wl, bl):
    n, d = x.shape
    e = edge_index.shape[1]
    c_out = Wl.shape[1]
    f32 = jnp.float32

    t_tile = -(-e // (NC * NS * K)) * K
    e_pad = NC * NS * t_tile
    pad = e_pad - e
    src = edge_index[0]
    dst = edge_index[1]
    src_p = jnp.concatenate([src, jnp.zeros((pad,), src.dtype)])
    dst_p = jnp.concatenate([dst, jnp.full((pad,), n, dst.dtype)])

    n_pad = -(-n // (NS * 8)) * (NS * 8)
    if n_pad == n:
        n_pad += NS * 8
    ones_const = jnp.ones((K, d), f32)
    zeros_const = jnp.zeros((n_pad // NS, d), f32)
    x_p = jnp.concatenate([x, jnp.zeros((n_pad - n, d), f32)])
    batch_p = jnp.concatenate([batch, jnp.full((n_pad - n,), G, batch.dtype)])

    deg_k = _make_deg_kernel(n_pad, d, t_tile)
    scat_k = _make_scatter_kernel(n_pad, d, t_tile)

    degp = deg_k(dst_p, ones_const, zeros_const)

    dinv, g1 = pl.pallas_call(
        _prep_body(n, n_pad),
        out_shape=(jax.ShapeDtypeStruct((n_pad, 1), f32),
                   jax.ShapeDtypeStruct((n_pad, d), f32)),
    )(degp, x_p, W1)

    mid = pl.pallas_call(
        _mid_body,
        out_shape=jax.ShapeDtypeStruct((n_pad, d), f32),
    )

    p1 = scat_k(g1, src_p, dst_p)
    g2 = mid(p1, g1, dinv, b1.reshape(1, d), W2)
    p2 = scat_k(g2, src_p, dst_p)
    g3 = mid(p2, g2, dinv, b2.reshape(1, d), W3)
    p3 = scat_k(g3, src_p, dst_p)

    out = pl.pallas_call(
        _final_body,
        out_shape=jax.ShapeDtypeStruct((G, c_out), f32),
    )(p3, g3, dinv, b3.reshape(1, d), batch_p.reshape(n_pad, 1), Wl,
      bl.reshape(1, c_out))
    return out

# --- scband reference (transcript-rebuilt; emitter-appended) ---
"""Pipeline reference for scband-gcn-35948876268052 (READ-ONLY COPY).

The authoritative reference and input builder live on the scoring server;
editing this copy changes nothing except your own understanding.
"""

import jax, jax.numpy as jnp
import numpy as np

N = 10000
E = 320000
D = 128
H = 128
C = 12
G = 32


def gcn_conv(x, edge_index, W, b):
    # PyG GCNConv: h = x @ W; add self-loops; sym-normalize; scatter-add; + bias
    n = x.shape[0]
    src = edge_index[0]
    dst = edge_index[1]
    loop = jnp.arange(n, dtype=src.dtype)
    src2 = jnp.concatenate([src, loop])
    dst2 = jnp.concatenate([dst, loop])
    deg = jax.ops.segment_sum(jnp.ones(src2.shape[0], dtype=x.dtype), dst2, num_segments=n)
    dinv = jnp.where(deg > 0, 1.0 / jnp.sqrt(deg), 0.0)
    norm = dinv[src2] * dinv[dst2]
    h = x @ W
    msg = h[src2] * norm[:, None]
    out = jax.ops.segment_sum(msg, dst2, num_segments=n)
    return out + b


def global_mean_pool(x, batch, num_graphs):
    s = jax.ops.segment_sum(x, batch, num_segments=num_graphs)
    cnt = jax.ops.segment_sum(jnp.ones(x.shape[0], dtype=x.dtype), batch, num_segments=num_graphs)
    return s / jnp.maximum(cnt, 1.0)[:, None]


def setup_inputs(seed: int = 0):
    key = jax.random.key(seed)
    ks = jax.random.split(key, 12)
    x = jax.random.normal(ks[0], (N, D), dtype=jnp.float32)
    edge_index = jax.random.randint(ks[1], (2, E), 0, N)
    batch = jnp.sort(jax.random.randint(ks[2], (N,), 0, G))
    W1 = jax.random.normal(ks[3], (D, H), dtype=jnp.float32) * 0.05
    b1 = jnp.zeros((H,), dtype=jnp.float32)
    W2 = jax.random.normal(ks[4], (H, H), dtype=jnp.float32) * 0.05
    b2 = jnp.zeros((H,), dtype=jnp.float32)
    W3 = jax.random.normal(ks[5], (H, H), dtype=jnp.float32) * 0.05
    b3 = jnp.zeros((H,), dtype=jnp.float32)
    Wl = jax.random.normal(ks[6], (H, C), dtype=jnp.float32) * 0.05
    bl = jnp.zeros((C,), dtype=jnp.float32)
    return {"x": x, "edge_index": edge_index, "batch": batch,
            "W1": W1, "b1": b1, "W2": W2, "b2": b2, "W3": W3, "b3": b3,
            "Wl": Wl, "bl": bl}


def reference(x, edge_index, batch, W1, b1, W2, b2, W3, b3, Wl, bl):
    h = gcn_conv(x, edge_index, W1, b1)
    h = jax.nn.relu(h)
    h = gcn_conv(h, edge_index, W2, b2)
    h = jax.nn.relu(h)
    h = gcn_conv(h, edge_index, W3, b3)
    h = global_mean_pool(h, batch, G)
    # dropout is identity in eval mode
    out = h @ Wl + bl
    return out

if __name__ == "__main__":
    import jax
    _d = setup_inputs()
    print(jax.jit(kernel)(*tuple(_d.values())))

</pallas_src>

<mosaic_0001>
#map = affine_map<(d0, d1) -> (0, 0)>
#map1 = affine_map<(d0, d1) -> (0)>
#map2 = affine_map<(d0, d1) -> (0, 0, 0)>
module attributes {stable_mosaic.version = 14 : i64} {
  func.func @scatter_kernel(%arg0: i32, %arg1: i32, %arg2: memref<10112x128xf32, #tpu.memory_space<hbm>>, %arg3: memref<323584xi32, #tpu.memory_space<hbm>>, %arg4: memref<323584xi32, #tpu.memory_space<hbm>>, %arg5: memref<2x10112x128xf32, #tpu.memory_space<hbm>>, %arg6: memref<128xi32, #tpu.memory_space<vmem>>, %arg7: memref<128xi32, #tpu.memory_space<vmem>>, %arg8: memref<128x128xf32, #tpu.memory_space<vmem>>, %arg9: memref<10112x128xf32, #tpu.memory_space<vmem_shared>>, %arg10: memref<!tpu.dma_semaphore, #tpu.memory_space<semaphore_mem>>) attributes {dimension_semantics = [#tpu.dimension_semantics<core_parallel>, #tpu.dimension_semantics<subcore_parallel>], iteration_bounds = array<i64: 2, 16>, scalar_prefetch = 0 : i64, scratch_operands = 5 : i64, tpu.core_type = #tpu.core_type<sc_vector_subcore>, window_params = [{transform_indices = #map}, {transform_indices = #map1}, {transform_indices = #map1}, {transform_indices = #map2}]} {
    %mul3A = arith.constant 16 : i32
    %mul3A_0 = arith.muli %arg0, %mul3A : i32
    %add3A = arith.addi %mul3A_0, %arg1 : i32
    %mul3A_1 = arith.constant 632 : i32
    %mul3A_2 = arith.muli %arg1, %mul3A_1 : i32
    %mul3A_3 = arith.constant 632 : i32
    %mul3A_4 = arith.muli %arg1, %mul3A_3 : i32
    "tpu.region"() ({
      %run_scoped3A = tpu.sem_alloc : memref<!tpu.dma_semaphore, #tpu.memory_space<semaphore_mem>>
      %dma_start3A = arith.constant 0 : i32
      %dma_start3A_17 = tpu.memref_slice %arg9[%mul3A_4, %dma_start3A] : memref<10112x128xf32, #tpu.memory_space<vmem_shared>> -> memref<632x128xf32, #tpu.memory_space<vmem_shared>>
      %dma_start3A_18 = arith.constant 0 : i32
      %dma_start3A_19 = tpu.memref_slice %arg2[%mul3A_2, %dma_start3A_18] : memref<10112x128xf32, #tpu.memory_space<hbm>> -> memref<632x128xf32, #tpu.memory_space<hbm>>
      tpu.enqueue_dma source(%dma_start3A_19 : memref<632x128xf32, #tpu.memory_space<hbm>>) target(%dma_start3A_17 : memref<632x128xf32, #tpu.memory_space<vmem_shared>>) target_semaphore(%run_scoped3A : memref<!tpu.dma_semaphore, #tpu.memory_space<semaphore_mem>>)
      %dma_wait3A = arith.constant 0 : i32
      %dma_wait3A_20 = tpu.memref_slice %arg9[%mul3A_4, %dma_wait3A] : memref<10112x128xf32, #tpu.memory_space<vmem_shared>> -> memref<632x128xf32, #tpu.memory_space<vmem_shared>>
      %dma_wait3A_21 = arith.constant 0 : i32
      %dma_wait3A_22 = tpu.memref_slice %arg2[%mul3A_2, %dma_wait3A_21] : memref<10112x128xf32, #tpu.memory_space<hbm>> -> memref<632x128xf32, #tpu.memory_space<hbm>>
      tpu.wait_dma2 semaphore(%run_scoped3A : memref<!tpu.dma_semaphore, #tpu.memory_space<semaphore_mem>>) src(%dma_wait3A_22 : memref<632x128xf32, #tpu.memory_space<hbm>>) dst(%dma_wait3A_20 : memref<632x128xf32, #tpu.memory_space<vmem_shared>>)
      tpu.yield
    }) : () -> ()
    %barrier3A = arith.constant 0 : index
    tpu.barrier barrier_id(%barrier3A)
    %mul3A_5 = arith.constant 10112 : i32
    %mul3A_6 = arith.muli %add3A, %mul3A_5 : i32
    %scan3A = arith.constant 0 : i32
    %scan3A_7 = arith.constant 0 : i32
    %scan3A_8 = arith.constant 79 : i32
    %scan3A_9 = arith.addi %scan3A_7, %scan3A_8 : i32
    %scan3A_10 = arith.constant 1 : i32
    scf.for %scan3A_17 = %scan3A_7 to %scan3A_9 step %scan3A_10  : i32 {
      %mul3A_18 = arith.constant 128 : i32
      %mul3A_19 = arith.muli %scan3A_17, %mul3A_18 : i32
      %add3A_20 = arith.addi %mul3A_6, %mul3A_19 : i32
      "tpu.region"() ({
        %run_scoped3A = tpu.sem_alloc : memref<!tpu.dma_semaphore, #tpu.memory_space<semaphore_mem>>
        %dma_start3A_25 = tpu.memref_slice %arg3[%add3A_20] : memref<323584xi32, #tpu.memory_space<hbm>> -> memref<128xi32, #tpu.memory_space<hbm>>
        %dma_start3A_26 = tpu.memref_slice %arg3[%add3A_20] : memref<323584xi32, #tpu.memory_space<hbm>> -> memref<128xi32, #tpu.memory_space<hbm>>
        tpu.enqueue_dma source(%dma_start3A_26 : memref<128xi32, #tpu.memory_space<hbm>>) target(%arg6 : memref<128xi32, #tpu.memory_space<vmem>>) target_semaphore(%run_scoped3A : memref<!tpu.dma_semaphore, #tpu.memory_space<semaphore_mem>>)
        %dma_wait3A_27 = tpu.memref_slice %arg3[%add3A_20] : memref<323584xi32, #tpu.memory_space<hbm>> -> memref<128xi32, #tpu.memory_space<hbm>>
        %dma_wait3A_28 = tpu.memref_slice %arg3[%add3A_20] : memref<323584xi32, #tpu.memory_space<hbm>> -> memref<128xi32, #tpu.memory_space<hbm>>
        tpu.wait_dma2 semaphore(%run_scoped3A : memref<!tpu.dma_semaphore, #tpu.memory_space<semaphore_mem>>) src(%dma_wait3A_28 : memref<128xi32, #tpu.memory_space<hbm>>) dst(%arg6 : memref<128xi32, #tpu.memory_space<vmem>>)
        tpu.yield
      }) : () -> ()
      "tpu.region"() ({
        %run_scoped3A = tpu.sem_alloc : memref<!tpu.dma_semaphore, #tpu.memory_space<semaphore_mem>>
        %dma_start3A_25 = tpu.memref_slice %arg4[%add3A_20] : memref<323584xi32, #tpu.memory_space<hbm>> -> memref<128xi32, #tpu.memory_space<hbm>>
        %dma_start3A_26 = tpu.memref_slice %arg4[%add3A_20] : memref<323584xi32, #tpu.memory_space<hbm>> -> memref<128xi32, #tpu.memory_space<hbm>>
        tpu.enqueue_dma source(%dma_start3A_26 : memref<128xi32, #tpu.memory_space<hbm>>) target(%arg7 : memref<128xi32, #tpu.memory_space<vmem>>) target_semaphore(%run_scoped3A : memref<!tpu.dma_semaphore, #tpu.memory_space<semaphore_mem>>)
        %dma_wait3A_27 = tpu.memref_slice %arg4[%add3A_20] : memref<323584xi32, #tpu.memory_space<hbm>> -> memref<128xi32, #tpu.memory_space<hbm>>
        %dma_wait3A_28 = tpu.memref_slice %arg4[%add3A_20] : memref<323584xi32, #tpu.memory_space<hbm>> -> memref<128xi32, #tpu.memory_space<hbm>>
        tpu.wait_dma2 semaphore(%run_scoped3A : memref<!tpu.dma_semaphore, #tpu.memory_space<semaphore_mem>>) src(%dma_wait3A_28 : memref<128xi32, #tpu.memory_space<hbm>>) dst(%arg7 : memref<128xi32, #tpu.memory_space<vmem>>)
        tpu.yield
      }) : () -> ()
      %dma_start3A = arith.constant 0 : i32
      %dma_start3A_21 = arith.constant 0 : i32
      %dma_start3A_22 = tpu.memref_slice %arg2[%dma_start3A, %dma_start3A_21] : memref<10112x128xf32, #tpu.memory_space<hbm>> -> memref<10112x128xf32, #tpu.memory_space<hbm>>
      tpu.enqueue_indirect_dma source(%dma_start3A_22 : memref<10112x128xf32, #tpu.memory_space<hbm>>) target(%arg8 : memref<128x128xf32, #tpu.memory_space<vmem>>) offsets(%arg6 : memref<128xi32, #tpu.memory_space<vmem>>) semaphore(%arg10 : memref<!tpu.dma_semaphore, #tpu.memory_space<semaphore_mem>>)
      %dma_wait3A = arith.constant 0 : i32
      %dma_wait3A_23 = arith.constant 0 : i32
      %dma_wait3A_24 = tpu.memref_slice %arg2[%dma_wait3A, %dma_wait3A_23] : memref<10112x128xf32, #tpu.memory_space<hbm>> -> memref<10112x128xf32, #tpu.memory_space<hbm>>
      tpu.wait_indirect_dma semaphore(%arg10 : memref<!tpu.dma_semaphore, #tpu.memory_space<semaphore_mem>>) src(%dma_wait3A_24 : memref<10112x128xf32, #tpu.memory_space<hbm>>) dst(%arg8 : memref<128x128xf32, #tpu.memory_space<vmem>>)
      "tpu.region"() ({
        %run_scoped3A = tpu.sem_alloc : memref<!tpu.dma_semaphore, #tpu.memory_space<semaphore_mem>>
        %dma_start3A_25 = arith.constant 0 : i32
        %dma_start3A_26 = arith.constant 0 : i32
        %dma_start3A_27 = tpu.memref_slice %arg9[%dma_start3A_25, %dma_start3A_26] : memref<10112x128xf32, #tpu.memory_space<vmem_shared>> -> memref<10112x128xf32, #tpu.memory_space<vmem_shared>>
        tpu.enqueue_indirect_dma source(%arg8 : memref<128x128xf32, #tpu.memory_space<vmem>>) target(%dma_start3A_27 : memref<10112x128xf32, #tpu.memory_space<vmem_shared>>) offsets(%arg7 : memref<128xi32, #tpu.memory_space<vmem>>) semaphore(%run_scoped3A : memref<!tpu.dma_semaphore, #tpu.memory_space<semaphore_mem>>) {add = true}
        %dma_wait3A_28 = arith.constant 0 : i32
        %dma_wait3A_29 = arith.constant 0 : i32
        %dma_wait3A_30 = tpu.memref_slice %arg9[%dma_wait3A_28, %dma_wait3A_29] : memref<10112x128xf32, #tpu.memory_space<vmem_shared>> -> memref<10112x128xf32, #tpu.memory_space<vmem_shared>>
        tpu.wait_indirect_dma semaphore(%run_scoped3A : memref<!tpu.dma_semaphore, #tpu.memory_space<semaphore_mem>>) src(%arg8 : memref<128x128xf32, #tpu.memory_space<vmem>>) dst(%dma_wait3A_30 : memref<10112x128xf32, #tpu.memory_space<vmem_shared>>)
        tpu.yield
      }) : () -> ()
    }
    %scan3A_11 = arith.constant 79 : i32
    %barrier3A_12 = arith.constant 0 : index
    tpu.barrier barrier_id(%barrier3A_12)
    %mul3A_13 = arith.constant 632 : i32
    %mul3A_14 = arith.muli %arg1, %mul3A_13 : i32
    %mul3A_15 = arith.constant 632 : i32
    %mul3A_16 = arith.muli %arg1, %mul3A_15 : i32
    "tpu.region"() ({
      %run_scoped3A = tpu.sem_alloc : memref<!tpu.dma_semaphore, #tpu.memory_space<semaphore_mem>>
      %dma_start3A = arith.constant 0 : i32
      %dma_start3A_17 = tpu.memref_slice %arg5[%arg0, %mul3A_16, %dma_start3A] : memref<2x10112x128xf32, #tpu.memory_space<hbm>> -> memref<1x632x128xf32, #tpu.memory_space<hbm>>
      %dma_start3A_18 = tpu.memref_squeeze %dma_start3A_17 : memref<1x632x128xf32, #tpu.memory_space<hbm>> -> memref<632x128xf32, #tpu.memory_space<hbm>>
      %dma_start3A_19 = arith.constant 0 : i32
      %dma_start3A_20 = tpu.memref_slice %arg9[%mul3A_14, %dma_start3A_19] : memref<10112x128xf32, #tpu.memory_space<vmem_shared>> -> memref<632x128xf32, #tpu.memory_space<vmem_shared>>
      tpu.enqueue_dma source(%dma_start3A_20 : memref<632x128xf32, #tpu.memory_space<vmem_shared>>) target(%dma_start3A_18 : memref<632x128xf32, #tpu.memory_space<hbm>>) target_semaphore(%run_scoped3A : memref<!tpu.dma_semaphore, #tpu.memory_space<semaphore_mem>>)
      %dma_wait3A = arith.constant 0 : i32
      %dma_wait3A_21 = tpu.memref_slice %arg5[%arg0, %mul3A_16, %dma_wait3A] : memref<2x10112x128xf32, #tpu.memory_space<hbm>> -> memref<1x632x128xf32, #tpu.memory_space<hbm>>
      %dma_wait3A_22 = tpu.memref_squeeze %dma_wait3A_21 : memref<1x632x128xf32, #tpu.memory_space<hbm>> -> memref<632x128xf32, #tpu.memory_space<hbm>>
      %dma_wait3A_23 = arith.constant 0 : i32
      %dma_wait3A_24 = tpu.memref_slice %arg9[%mul3A_14, %dma_wait3A_23] : memref<10112x128xf32, #tpu.memory_space<vmem_shared>> -> memref<632x128xf32, #tpu.memory_space<vmem_shared>>
      tpu.wait_dma2 semaphore(%run_scoped3A : memref<!tpu.dma_semaphore, #tpu.memory_space<semaphore_mem>>) src(%dma_wait3A_24 : memref<632x128xf32, #tpu.memory_space<vmem_shared>>) dst(%dma_wait3A_22 : memref<632x128xf32, #tpu.memory_space<hbm>>)
      tpu.yield
    }) : () -> ()
    return
  }
}

#map = affine_map<(d0, d1) -> (0)>
#map1 = affine_map<(d0, d1) -> (0, 0)>
#map2 = affine_map<(d0, d1) -> (0, 0, 0)>
module attributes {stable_mosaic.version = 14 : i64} {
  func.func @deg_kernel(%arg0: i32, %arg1: i32, %arg2: memref<323584xi32, #tpu.memory_space<hbm>>, %arg3: memref<128x128xf32, #tpu.memory_space<hbm>>, %arg4: memref<632x128xf32, #tpu.memory_space<hbm>>, %arg5: memref<2x10112x128xf32, #tpu.memory_space<hbm>>, %arg6: memref<128xi32, #tpu.memory_space<vmem>>, %arg7: memref<128x128xf32, #tpu.memory_space<vmem>>, %arg8: memref<10112x128xf32, #tpu.memory_space<vmem_shared>>) attributes {dimension_semantics = [#tpu.dimension_semantics<core_parallel>, #tpu.dimension_semantics<subcore_parallel>], iteration_bounds = array<i64: 2, 16>, scalar_prefetch = 0 : i64, scratch_operands = 3 : i64, tpu.core_type = #tpu.core_type<sc_vector_subcore>, window_params = [{transform_indices = #map}, {transform_indices = #map1}, {transform_indices = #map1}, {transform_indices = #map2}]} {
    %mul3A = arith.constant 16 : i32
    %mul3A_0 = arith.muli %arg0, %mul3A : i32
    %add3A = arith.addi %mul3A_0, %arg1 : i32
    "tpu.region"() ({
      %run_scoped3A = tpu.sem_alloc : memref<!tpu.dma_semaphore, #tpu.memory_space<semaphore_mem>>
      tpu.enqueue_dma source(%arg3 : memref<128x128xf32, #tpu.memory_space<hbm>>) target(%arg7 : memref<128x128xf32, #tpu.memory_space<vmem>>) target_semaphore(%run_scoped3A : memref<!tpu.dma_semaphore, #tpu.memory_space<semaphore_mem>>)
      tpu.wait_dma2 semaphore(%run_scoped3A : memref<!tpu.dma_semaphore, #tpu.memory_space<semaphore_mem>>) src(%arg3 : memref<128x128xf32, #tpu.memory_space<hbm>>) dst(%arg7 : memref<128x128xf32, #tpu.memory_space<vmem>>)
      tpu.yield
    }) : () -> ()
    %mul3A_1 = arith.constant 632 : i32
    %mul3A_2 = arith.muli %arg1, %mul3A_1 : i32
    "tpu.region"() ({
      %run_scoped3A = tpu.sem_alloc : memref<!tpu.dma_semaphore, #tpu.memory_space<semaphore_mem>>
      %dma_start3A = arith.constant 0 : i32
      %dma_start3A_15 = tpu.memref_slice %arg8[%mul3A_2, %dma_start3A] : memref<10112x128xf32, #tpu.memory_space<vmem_shared>> -> memref<632x128xf32, #tpu.memory_space<vmem_shared>>
      tpu.enqueue_dma source(%arg4 : memref<632x128xf32, #tpu.memory_space<hbm>>) target(%dma_start3A_15 : memref<632x128xf32, #tpu.memory_space<vmem_shared>>) target_semaphore(%run_scoped3A : memref<!tpu.dma_semaphore, #tpu.memory_space<semaphore_mem>>)
      %dma_wait3A = arith.constant 0 : i32
      %dma_wait3A_16 = tpu.memref_slice %arg8[%mul3A_2, %dma_wait3A] : memref<10112x128xf32, #tpu.memory_space<vmem_shared>> -> memref<632x128xf32, #tpu.memory_space<vmem_shared>>
      tpu.wait_dma2 semaphore(%run_scoped3A : memref<!tpu.dma_semaphore, #tpu.memory_space<semaphore_mem>>) src(%arg4 : memref<632x128xf32, #tpu.memory_space<hbm>>) dst(%dma_wait3A_16 : memref<632x128xf32, #tpu.memory_space<vmem_shared>>)
      tpu.yield
    }) : () -> ()
    %barrier3A = arith.constant 0 : index
    tpu.barrier barrier_id(%barrier3A)
    %mul3A_3 = arith.constant 10112 : i32
    %mul3A_4 = arith.muli %add3A, %mul3A_3 : i32
    %scan3A = arith.constant 0 : i32
    %scan3A_5 = arith.constant 0 : i32
    %scan3A_6 = arith.constant 79 : i32
    %scan3A_7 = arith.addi %scan3A_5, %scan3A_6 : i32
    %scan3A_8 = arith.constant 1 : i32
    scf.for %scan3A_15 = %scan3A_5 to %scan3A_7 step %scan3A_8  : i32 {
      %mul3A_16 = arith.constant 128 : i32
      %mul3A_17 = arith.muli %scan3A_15, %mul3A_16 : i32
      %add3A_18 = arith.addi %mul3A_4, %mul3A_17 : i32
      "tpu.region"() ({
        %run_scoped3A = tpu.sem_alloc : memref<!tpu.dma_semaphore, #tpu.memory_space<semaphore_mem>>
        %dma_start3A = tpu.memref_slice %arg2[%add3A_18] : memref<323584xi32, #tpu.memory_space<hbm>> -> memref<128xi32, #tpu.memory_space<hbm>>
        %dma_start3A_19 = tpu.memref_slice %arg2[%add3A_18] : memref<323584xi32, #tpu.memory_space<hbm>> -> memref<128xi32, #tpu.memory_space<hbm>>
        tpu.enqueue_dma source(%dma_start3A_19 : memref<128xi32, #tpu.memory_space<hbm>>) target(%arg6 : memref<128xi32, #tpu.memory_space<vmem>>) target_semaphore(%run_scoped3A : memref<!tpu.dma_semaphore, #tpu.memory_space<semaphore_mem>>)
        %dma_wait3A = tpu.memref_slice %arg2[%add3A_18] : memref<323584xi32, #tpu.memory_space<hbm>> -> memref<128xi32, #tpu.memory_space<hbm>>
        %dma_wait3A_20 = tpu.memref_slice %arg2[%add3A_18] : memref<323584xi32, #tpu.memory_space<hbm>> -> memref<128xi32, #tpu.memory_space<hbm>>
        tpu.wait_dma2 semaphore(%run_scoped3A : memref<!tpu.dma_semaphore, #tpu.memory_space<semaphore_mem>>) src(%dma_wait3A_20 : memref<128xi32, #tpu.memory_space<hbm>>) dst(%arg6 : memref<128xi32, #tpu.memory_space<vmem>>)
        tpu.yield
      }) : () -> ()
      "tpu.region"() ({
        %run_scoped3A = tpu.sem_alloc : memref<!tpu.dma_semaphore, #tpu.memory_space<semaphore_mem>>
        %dma_start3A = arith.constant 0 : i32
        %dma_start3A_19 = arith.constant 0 : i32
        %dma_start3A_20 = tpu.memref_slice %arg8[%dma_start3A, %dma_start3A_19] : memref<10112x128xf32, #tpu.memory_space<vmem_shared>> -> memref<10112x128xf32, #tpu.memory_space<vmem_shared>>
        tpu.enqueue_indirect_dma source(%arg7 : memref<128x128xf32, #tpu.memory_space<vmem>>) target(%dma_start3A_20 : memref<10112x128xf32, #tpu.memory_space<vmem_shared>>) offsets(%arg6 : memref<128xi32, #tpu.memory_space<vmem>>) semaphore(%run_scoped3A : memref<!tpu.dma_semaphore, #tpu.memory_space<semaphore_mem>>) {add = true}
        %dma_wait3A = arith.constant 0 : i32
        %dma_wait3A_21 = arith.constant 0 : i32
        %dma_wait3A_22 = tpu.memref_slice %arg8[%dma_wait3A, %dma_wait3A_21] : memref<10112x128xf32, #tpu.memory_space<vmem_shared>> -> memref<10112x128xf32, #tpu.memory_space<vmem_shared>>
        tpu.wait_indirect_dma semaphore(%run_scoped3A : memref<!tpu.dma_semaphore, #tpu.memory_space<semaphore_mem>>) src(%arg7 : memref<128x128xf32, #tpu.memory_space<vmem>>) dst(%dma_wait3A_22 : memref<10112x128xf32, #tpu.memory_space<vmem_shared>>)
        tpu.yield
      }) : () -> ()
    }
    %scan3A_9 = arith.constant 79 : i32
    %barrier3A_10 = arith.constant 0 : index
    tpu.barrier barrier_id(%barrier3A_10)
    %mul3A_11 = arith.constant 632 : i32
    %mul3A_12 = arith.muli %arg1, %mul3A_11 : i32
    %mul3A_13 = arith.constant 632 : i32
    %mul3A_14 = arith.muli %arg1, %mul3A_13 : i32
    "tpu.region"() ({
      %run_scoped3A = tpu.sem_alloc : memref<!tpu.dma_semaphore, #tpu.memory_space<semaphore_mem>>
      %dma_start3A = arith.constant 0 : i32
      %dma_start3A_15 = tpu.memref_slice %arg5[%arg0, %mul3A_14, %dma_start3A] : memref<2x10112x128xf32, #tpu.memory_space<hbm>> -> memref<1x632x128xf32, #tpu.memory_space<hbm>>
      %dma_start3A_16 = tpu.memref_squeeze %dma_start3A_15 : memref<1x632x128xf32, #tpu.memory_space<hbm>> -> memref<632x128xf32, #tpu.memory_space<hbm>>
      %dma_start3A_17 = arith.constant 0 : i32
      %dma_start3A_18 = tpu.memref_slice %arg8[%mul3A_12, %dma_start3A_17] : memref<10112x128xf32, #tpu.memory_space<vmem_shared>> -> memref<632x128xf32, #tpu.memory_space<vmem_shared>>
      tpu.enqueue_dma source(%dma_start3A_18 : memref<632x128xf32, #tpu.memory_space<vmem_shared>>) target(%dma_start3A_16 : memref<632x128xf32, #tpu.memory_space<hbm>>) target_semaphore(%run_scoped3A : memref<!tpu.dma_semaphore, #tpu.memory_space<semaphore_mem>>)
      %dma_wait3A = arith.constant 0 : i32
      %dma_wait3A_19 = tpu.memref_slice %arg5[%arg0, %mul3A_14, %dma_wait3A] : memref<2x10112x128xf32, #tpu.memory_space<hbm>> -> memref<1x632x128xf32, #tpu.memory_space<hbm>>
      %dma_wait3A_20 = tpu.memref_squeeze %dma_wait3A_19 : memref<1x632x128xf32, #tpu.memory_space<hbm>> -> memref<632x128xf32, #tpu.memory_space<hbm>>
      %dma_wait3A_21 = arith.constant 0 : i32
      %dma_wait3A_22 = tpu.memref_slice %arg8[%mul3A_12, %dma_wait3A_21] : memref<10112x128xf32, #tpu.memory_space<vmem_shared>> -> memref<632x128xf32, #tpu.memory_space<vmem_shared>>
      tpu.wait_dma2 semaphore(%run_scoped3A : memref<!tpu.dma_semaphore, #tpu.memory_space<semaphore_mem>>) src(%dma_wait3A_22 : memref<632x128xf32, #tpu.memory_space<vmem_shared>>) dst(%dma_wait3A_20 : memref<632x128xf32, #tpu.memory_space<hbm>>)
      tpu.yield
    }) : () -> ()
    return
  }
}

#map = affine_map<(d0, d1) -> (0, 0)>
#map1 = affine_map<(d0, d1) -> (0)>
#map2 = affine_map<(d0, d1) -> (0, 0, 0)>
module attributes {stable_mosaic.version = 14 : i64} {
  func.func @scatter_kernel(%arg0: i32, %arg1: i32, %arg2: memref<10112x128xf32, #tpu.memory_space<hbm>>, %arg3: memref<323584xi32, #tpu.memory_space<hbm>>, %arg4: memref<323584xi32, #tpu.memory_space<hbm>>, %arg5: memref<2x10112x128xf32, #tpu.memory_space<hbm>>, %arg6: memref<128xi32, #tpu.memory_space<vmem>>, %arg7: memref<128xi32, #tpu.memory_space<vmem>>, %arg8: memref<128x128xf32, #tpu.memory_space<vmem>>, %arg9: memref<10112x128xf32, #tpu.memory_space<vmem_shared>>, %arg10: memref<!tpu.dma_semaphore, #tpu.memory_space<semaphore_mem>>) attributes {dimension_semantics = [#tpu.dimension_semantics<core_parallel>, #tpu.dimension_semantics<subcore_parallel>], iteration_bounds = array<i64: 2, 16>, scalar_prefetch = 0 : i64, scratch_operands = 5 : i64, tpu.core_type = #tpu.core_type<sc_vector_subcore>, window_params = [{transform_indices = #map}, {transform_indices = #map1}, {transform_indices = #map1}, {transform_indices = #map2}]} {
    %mul3A = arith.constant 16 : i32
    %mul3A_0 = arith.muli %arg0, %mul3A : i32
    %add3A = arith.addi %mul3A_0, %arg1 : i32
    %mul3A_1 = arith.constant 632 : i32
    %mul3A_2 = arith.muli %arg1, %mul3A_1 : i32
    %mul3A_3 = arith.constant 632 : i32
    %mul3A_4 = arith.muli %arg1, %mul3A_3 : i32
    "tpu.region"() ({
      %run_scoped3A = tpu.sem_alloc : memref<!tpu.dma_semaphore, #tpu.memory_space<semaphore_mem>>
      %dma_start3A = arith.constant 0 : i32
      %dma_start3A_17 = tpu.memref_slice %arg9[%mul3A_4, %dma_start3A] : memref<10112x128xf32, #tpu.memory_space<vmem_shared>> -> memref<632x128xf32, #tpu.memory_space<vmem_shared>>
      %dma_start3A_18 = arith.constant 0 : i32
      %dma_start3A_19 = tpu.memref_slice %arg2[%mul3A_2, %dma_start3A_18] : memref<10112x128xf32, #tpu.memory_space<hbm>> -> memref<632x128xf32, #tpu.memory_space<hbm>>
      tpu.enqueue_dma source(%dma_start3A_19 : memref<632x128xf32, #tpu.memory_space<hbm>>) target(%dma_start3A_17 : memref<632x128xf32, #tpu.memory_space<vmem_shared>>) target_semaphore(%run_scoped3A : memref<!tpu.dma_semaphore, #tpu.memory_space<semaphore_mem>>)
      %dma_wait3A = arith.constant 0 : i32
      %dma_wait3A_20 = tpu.memref_slice %arg9[%mul3A_4, %dma_wait3A] : memref<10112x128xf32, #tpu.memory_space<vmem_shared>> -> memref<632x128xf32, #tpu.memory_space<vmem_shared>>
      %dma_wait3A_21 = arith.constant 0 : i32
      %dma_wait3A_22 = tpu.memref_slice %arg2[%mul3A_2, %dma_wait3A_21] : memref<10112x128xf32, #tpu.memory_space<hbm>> -> memref<632x128xf32, #tpu.memory_space<hbm>>
      tpu.wait_dma2 semaphore(%run_scoped3A : memref<!tpu.dma_semaphore, #tpu.memory_space<semaphore_mem>>) src(%dma_wait3A_22 : memref<632x128xf32, #tpu.memory_space<hbm>>) dst(%dma_wait3A_20 : memref<632x128xf32, #tpu.memory_space<vmem_shared>>)
      tpu.yield
    }) : () -> ()
    %barrier3A = arith.constant 0 : index
    tpu.barrier barrier_id(%barrier3A)
    %mul3A_5 = arith.constant 10112 : i32
    %mul3A_6 = arith.muli %add3A, %mul3A_5 : i32
    %scan3A = arith.constant 0 : i32
    %scan3A_7 = arith.constant 0 : i32
    %scan3A_8 = arith.constant 79 : i32
    %scan3A_9 = arith.addi %scan3A_7, %scan3A_8 : i32
    %scan3A_10 = arith.constant 1 : i32
    scf.for %scan3A_17 = %scan3A_7 to %scan3A_9 step %scan3A_10  : i32 {
      %mul3A_18 = arith.constant 128 : i32
      %mul3A_19 = arith.muli %scan3A_17, %mul3A_18 : i32
      %add3A_20 = arith.addi %mul3A_6, %mul3A_19 : i32
      "tpu.region"() ({
        %run_scoped3A = tpu.sem_alloc : memref<!tpu.dma_semaphore, #tpu.memory_space<semaphore_mem>>
        %dma_start3A_25 = tpu.memref_slice %arg3[%add3A_20] : memref<323584xi32, #tpu.memory_space<hbm>> -> memref<128xi32, #tpu.memory_space<hbm>>
        %dma_start3A_26 = tpu.memref_slice %arg3[%add3A_20] : memref<323584xi32, #tpu.memory_space<hbm>> -> memref<128xi32, #tpu.memory_space<hbm>>
        tpu.enqueue_dma source(%dma_start3A_26 : memref<128xi32, #tpu.memory_space<hbm>>) target(%arg6 : memref<128xi32, #tpu.memory_space<vmem>>) target_semaphore(%run_scoped3A : memref<!tpu.dma_semaphore, #tpu.memory_space<semaphore_mem>>)
        %dma_wait3A_27 = tpu.memref_slice %arg3[%add3A_20] : memref<323584xi32, #tpu.memory_space<hbm>> -> memref<128xi32, #tpu.memory_space<hbm>>
        %dma_wait3A_28 = tpu.memref_slice %arg3[%add3A_20] : memref<323584xi32, #tpu.memory_space<hbm>> -> memref<128xi32, #tpu.memory_space<hbm>>
        tpu.wait_dma2 semaphore(%run_scoped3A : memref<!tpu.dma_semaphore, #tpu.memory_space<semaphore_mem>>) src(%dma_wait3A_28 : memref<128xi32, #tpu.memory_space<hbm>>) dst(%arg6 : memref<128xi32, #tpu.memory_space<vmem>>)
        tpu.yield
      }) : () -> ()
      "tpu.region"() ({
        %run_scoped3A = tpu.sem_alloc : memref<!tpu.dma_semaphore, #tpu.memory_space<semaphore_mem>>
        %dma_start3A_25 = tpu.memref_slice %arg4[%add3A_20] : memref<323584xi32, #tpu.memory_space<hbm>> -> memref<128xi32, #tpu.memory_space<hbm>>
        %dma_start3A_26 = tpu.memref_slice %arg4[%add3A_20] : memref<323584xi32, #tpu.memory_space<hbm>> -> memref<128xi32, #tpu.memory_space<hbm>>
        tpu.enqueue_dma source(%dma_start3A_26 : memref<128xi32, #tpu.memory_space<hbm>>) target(%arg7 : memref<128xi32, #tpu.memory_space<vmem>>) target_semaphore(%run_scoped3A : memref<!tpu.dma_semaphore, #tpu.memory_space<semaphore_mem>>)
        %dma_wait3A_27 = tpu.memref_slice %arg4[%add3A_20] : memref<323584xi32, #tpu.memory_space<hbm>> -> memref<128xi32, #tpu.memory_space<hbm>>
        %dma_wait3A_28 = tpu.memref_slice %arg4[%add3A_20] : memref<323584xi32, #tpu.memory_space<hbm>> -> memref<128xi32, #tpu.memory_space<hbm>>
        tpu.wait_dma2 semaphore(%run_scoped3A : memref<!tpu.dma_semaphore, #tpu.memory_space<semaphore_mem>>) src(%dma_wait3A_28 : memref<128xi32, #tpu.memory_space<hbm>>) dst(%arg7 : memref<128xi32, #tpu.memory_space<vmem>>)
        tpu.yield
      }) : () -> ()
      %dma_start3A = arith.constant 0 : i32
      %dma_start3A_21 = arith.constant 0 : i32
      %dma_start3A_22 = tpu.memref_slice %arg2[%dma_start3A, %dma_start3A_21] : memref<10112x128xf32, #tpu.memory_space<hbm>> -> memref<10112x128xf32, #tpu.memory_space<hbm>>
      tpu.enqueue_indirect_dma source(%dma_start3A_22 : memref<10112x128xf32, #tpu.memory_space<hbm>>) target(%arg8 : memref<128x128xf32, #tpu.memory_space<vmem>>) offsets(%arg6 : memref<128xi32, #tpu.memory_space<vmem>>) semaphore(%arg10 : memref<!tpu.dma_semaphore, #tpu.memory_space<semaphore_mem>>)
      %dma_wait3A = arith.constant 0 : i32
      %dma_wait3A_23 = arith.constant 0 : i32
      %dma_wait3A_24 = tpu.memref_slice %arg2[%dma_wait3A, %dma_wait3A_23] : memref<10112x128xf32, #tpu.memory_space<hbm>> -> memref<10112x128xf32, #tpu.memory_space<hbm>>
      tpu.wait_indirect_dma semaphore(%arg10 : memref<!tpu.dma_semaphore, #tpu.memory_space<semaphore_mem>>) src(%dma_wait3A_24 : memref<10112x128xf32, #tpu.memory_space<hbm>>) dst(%arg8 : memref<128x128xf32, #tpu.memory_space<vmem>>)
      "tpu.region"() ({
        %run_scoped3A = tpu.sem_alloc : memref<!tpu.dma_semaphore, #tpu.memory_space<semaphore_mem>>
        %dma_start3A_25 = arith.constant 0 : i32
        %dma_start3A_26 = arith.constant 0 : i32
        %dma_start3A_27 = tpu.memref_slice %arg9[%dma_start3A_25, %dma_start3A_26] : memref<10112x128xf32, #tpu.memory_space<vmem_shared>> -> memref<10112x128xf32, #tpu.memory_space<vmem_shared>>
        tpu.enqueue_indirect_dma source(%arg8 : memref<128x128xf32, #tpu.memory_space<vmem>>) target(%dma_start3A_27 : memref<10112x128xf32, #tpu.memory_space<vmem_shared>>) offsets(%arg7 : memref<128xi32, #tpu.memory_space<vmem>>) semaphore(%run_scoped3A : memref<!tpu.dma_semaphore, #tpu.memory_space<semaphore_mem>>) {add = true}
        %dma_wait3A_28 = arith.constant 0 : i32
        %dma_wait3A_29 = arith.constant 0 : i32
        %dma_wait3A_30 = tpu.memref_slice %arg9[%dma_wait3A_28, %dma_wait3A_29] : memref<10112x128xf32, #tpu.memory_space<vmem_shared>> -> memref<10112x128xf32, #tpu.memory_space<vmem_shared>>
        tpu.wait_indirect_dma semaphore(%run_scoped3A : memref<!tpu.dma_semaphore, #tpu.memory_space<semaphore_mem>>) src(%arg8 : memref<128x128xf32, #tpu.memory_space<vmem>>) dst(%dma_wait3A_30 : memref<10112x128xf32, #tpu.memory_space<vmem_shared>>)
        tpu.yield
      }) : () -> ()
    }
    %scan3A_11 = arith.constant 79 : i32
    %barrier3A_12 = arith.constant 0 : index
    tpu.barrier barrier_id(%barrier3A_12)
    %mul3A_13 = arith.constant 632 : i32
    %mul3A_14 = arith.muli %arg1, %mul3A_13 : i32
    %mul3A_15 = arith.constant 632 : i32
    %mul3A_16 = arith.muli %arg1, %mul3A_15 : i32
    "tpu.region"() ({
      %run_scoped3A = tpu.sem_alloc : memref<!tpu.dma_semaphore, #tpu.memory_space<semaphore_mem>>
      %dma_start3A = arith.constant 0 : i32
      %dma_start3A_17 = tpu.memref_slice %arg5[%arg0, %mul3A_16, %dma_start3A] : memref<2x10112x128xf32, #tpu.memory_space<hbm>> -> memref<1x632x128xf32, #tpu.memory_space<hbm>>
      %dma_start3A_18 = tpu.memref_squeeze %dma_start3A_17 : memref<1x632x128xf32, #tpu.memory_space<hbm>> -> memref<632x128xf32, #tpu.memory_space<hbm>>
      %dma_start3A_19 = arith.constant 0 : i32
      %dma_start3A_20 = tpu.memref_slice %arg9[%mul3A_14, %dma_start3A_19] : memref<10112x128xf32, #tpu.memory_space<vmem_shared>> -> memref<632x128xf32, #tpu.memory_space<vmem_shared>>
      tpu.enqueue_dma source(%dma_start3A_20 : memref<632x128xf32, #tpu.memory_space<vmem_shared>>) target(%dma_start3A_18 : memref<632x128xf32, #tpu.memory_space<hbm>>) target_semaphore(%run_scoped3A : memref<!tpu.dma_semaphore, #tpu.memory_space<semaphore_mem>>)
      %dma_wait3A = arith.constant 0 : i32
      %dma_wait3A_21 = tpu.memref_slice %arg5[%arg0, %mul3A_16, %dma_wait3A] : memref<2x10112x128xf32, #tpu.memory_space<hbm>> -> memref<1x632x128xf32, #tpu.memory_space<hbm>>
      %dma_wait3A_22 = tpu.memref_squeeze %dma_wait3A_21 : memref<1x632x128xf32, #tpu.memory_space<hbm>> -> memref<632x128xf32, #tpu.memory_space<hbm>>
      %dma_wait3A_23 = arith.constant 0 : i32
      %dma_wait3A_24 = tpu.memref_slice %arg9[%mul3A_14, %dma_wait3A_23] : memref<10112x128xf32, #tpu.memory_space<vmem_shared>> -> memref<632x128xf32, #tpu.memory_space<vmem_shared>>
      tpu.wait_dma2 semaphore(%run_scoped3A : memref<!tpu.dma_semaphore, #tpu.memory_space<semaphore_mem>>) src(%dma_wait3A_24 : memref<632x128xf32, #tpu.memory_space<vmem_shared>>) dst(%dma_wait3A_22 : memref<632x128xf32, #tpu.memory_space<hbm>>)
      tpu.yield
    }) : () -> ()
    return
  }
}

#map = affine_map<(d0, d1) -> (0, 0)>
#map1 = affine_map<(d0, d1) -> (0)>
#map2 = affine_map<(d0, d1) -> (0, 0, 0)>
module attributes {stable_mosaic.version = 14 : i64} {
  func.func @scatter_kernel(%arg0: i32, %arg1: i32, %arg2: memref<10112x128xf32, #tpu.memory_space<hbm>>, %arg3: memref<323584xi32, #tpu.memory_space<hbm>>, %arg4: memref<323584xi32, #tpu.memory_space<hbm>>, %arg5: memref<2x10112x128xf32, #tpu.memory_space<hbm>>, %arg6: memref<128xi32, #tpu.memory_space<vmem>>, %arg7: memref<128xi32, #tpu.memory_space<vmem>>, %arg8: memref<128x128xf32, #tpu.memory_space<vmem>>, %arg9: memref<10112x128xf32, #tpu.memory_space<vmem_shared>>, %arg10: memref<!tpu.dma_semaphore, #tpu.memory_space<semaphore_mem>>) attributes {dimension_semantics = [#tpu.dimension_semantics<core_parallel>, #tpu.dimension_semantics<subcore_parallel>], iteration_bounds = array<i64: 2, 16>, scalar_prefetch = 0 : i64, scratch_operands = 5 : i64, tpu.core_type = #tpu.core_type<sc_vector_subcore>, window_params = [{transform_indices = #map}, {transform_indices = #map1}, {transform_indices = #map1}, {transform_indices = #map2}]} {
    %mul3A = arith.constant 16 : i32
    %mul3A_0 = arith.muli %arg0, %mul3A : i32
    %add3A = arith.addi %mul3A_0, %arg1 : i32
    %mul3A_1 = arith.constant 632 : i32
    %mul3A_2 = arith.muli %arg1, %mul3A_1 : i32
    %mul3A_3 = arith.constant 632 : i32
    %mul3A_4 = arith.muli %arg1, %mul3A_3 : i32
    "tpu.region"() ({
      %run_scoped3A = tpu.sem_alloc : memref<!tpu.dma_semaphore, #tpu.memory_space<semaphore_mem>>
      %dma_start3A = arith.constant 0 : i32
      %dma_start3A_17 = tpu.memref_slice %arg9[%mul3A_4, %dma_start3A] : memref<10112x128xf32, #tpu.memory_space<vmem_shared>> -> memref<632x128xf32, #tpu.memory_space<vmem_shared>>
      %dma_start3A_18 = arith.constant 0 : i32
      %dma_start3A_19 = tpu.memref_slice %arg2[%mul3A_2, %dma_start3A_18] : memref<10112x128xf32, #tpu.memory_space<hbm>> -> memref<632x128xf32, #tpu.memory_space<hbm>>
      tpu.enqueue_dma source(%dma_start3A_19 : memref<632x128xf32, #tpu.memory_space<hbm>>) target(%dma_start3A_17 : memref<632x128xf32, #tpu.memory_space<vmem_shared>>) target_semaphore(%run_scoped3A : memref<!tpu.dma_semaphore, #tpu.memory_space<semaphore_mem>>)
      %dma_wait3A = arith.constant 0 : i32
      %dma_wait3A_20 = tpu.memref_slice %arg9[%mul3A_4, %dma_wait3A] : memref<10112x128xf32, #tpu.memory_space<vmem_shared>> -> memref<632x128xf32, #tpu.memory_space<vmem_shared>>
      %dma_wait3A_21 = arith.constant 0 : i32
      %dma_wait3A_22 = tpu.memref_slice %arg2[%mul3A_2, %dma_wait3A_21] : memref<10112x128xf32, #tpu.memory_space<hbm>> -> memref<632x128xf32, #tpu.memory_space<hbm>>
      tpu.wait_dma2 semaphore(%run_scoped3A : memref<!tpu.dma_semaphore, #tpu.memory_space<semaphore_mem>>) src(%dma_wait3A_22 : memref<632x128xf32, #tpu.memory_space<hbm>>) dst(%dma_wait3A_20 : memref<632x128xf32, #tpu.memory_space<vmem_shared>>)
      tpu.yield
    }) : () -> ()
    %barrier3A = arith.constant 0 : index
    tpu.barrier barrier_id(%barrier3A)
    %mul3A_5 = arith.constant 10112 : i32
    %mul3A_6 = arith.muli %add3A, %mul3A_5 : i32
    %scan3A = arith.constant 0 : i32
    %scan3A_7 = arith.constant 0 : i32
    %scan3A_8 = arith.constant 79 : i32
    %scan3A_9 = arith.addi %scan3A_7, %scan3A_8 : i32
    %scan3A_10 = arith.constant 1 : i32
    scf.for %scan3A_17 = %scan3A_7 to %scan3A_9 step %scan3A_10  : i32 {
      %mul3A_18 = arith.constant 128 : i32
      %mul3A_19 = arith.muli %scan3A_17, %mul3A_18 : i32
      %add3A_20 = arith.addi %mul3A_6, %mul3A_19 : i32
      "tpu.region"() ({
        %run_scoped3A = tpu.sem_alloc : memref<!tpu.dma_semaphore, #tpu.memory_space<semaphore_mem>>
        %dma_start3A_25 = tpu.memref_slice %arg3[%add3A_20] : memref<323584xi32, #tpu.memory_space<hbm>> -> memref<128xi32, #tpu.memory_space<hbm>>
        %dma_start3A_26 = tpu.memref_slice %arg3[%add3A_20] : memref<323584xi32, #tpu.memory_space<hbm>> -> memref<128xi32, #tpu.memory_space<hbm>>
        tpu.enqueue_dma source(%dma_start3A_26 : memref<128xi32, #tpu.memory_space<hbm>>) target(%arg6 : memref<128xi32, #tpu.memory_space<vmem>>) target_semaphore(%run_scoped3A : memref<!tpu.dma_semaphore, #tpu.memory_space<semaphore_mem>>)
        %dma_wait3A_27 = tpu.memref_slice %arg3[%add3A_20] : memref<323584xi32, #tpu.memory_space<hbm>> -> memref<128xi32, #tpu.memory_space<hbm>>
        %dma_wait3A_28 = tpu.memref_slice %arg3[%add3A_20] : memref<323584xi32, #tpu.memory_space<hbm>> -> memref<128xi32, #tpu.memory_space<hbm>>
        tpu.wait_dma2 semaphore(%run_scoped3A : memref<!tpu.dma_semaphore, #tpu.memory_space<semaphore_mem>>) src(%dma_wait3A_28 : memref<128xi32, #tpu.memory_space<hbm>>) dst(%arg6 : memref<128xi32, #tpu.memory_space<vmem>>)
        tpu.yield
      }) : () -> ()
      "tpu.region"() ({
        %run_scoped3A = tpu.sem_alloc : memref<!tpu.dma_semaphore, #tpu.memory_space<semaphore_mem>>
        %dma_start3A_25 = tpu.memref_slice %arg4[%add3A_20] : memref<323584xi32, #tpu.memory_space<hbm>> -> memref<128xi32, #tpu.memory_space<hbm>>
        %dma_start3A_26 = tpu.memref_slice %arg4[%add3A_20] : memref<323584xi32, #tpu.memory_space<hbm>> -> memref<128xi32, #tpu.memory_space<hbm>>
        tpu.enqueue_dma source(%dma_start3A_26 : memref<128xi32, #tpu.memory_space<hbm>>) target(%arg7 : memref<128xi32, #tpu.memory_space<vmem>>) target_semaphore(%run_scoped3A : memref<!tpu.dma_semaphore, #tpu.memory_space<semaphore_mem>>)
        %dma_wait3A_27 = tpu.memref_slice %arg4[%add3A_20] : memref<323584xi32, #tpu.memory_space<hbm>> -> memref<128xi32, #tpu.memory_space<hbm>>
        %dma_wait3A_28 = tpu.memref_slice %arg4[%add3A_20] : memref<323584xi32, #tpu.memory_space<hbm>> -> memref<128xi32, #tpu.memory_space<hbm>>
        tpu.wait_dma2 semaphore(%run_scoped3A : memref<!tpu.dma_semaphore, #tpu.memory_space<semaphore_mem>>) src(%dma_wait3A_28 : memref<128xi32, #tpu.memory_space<hbm>>) dst(%arg7 : memref<128xi32, #tpu.memory_space<vmem>>)
        tpu.yield
      }) : () -> ()
      %dma_start3A = arith.constant 0 : i32
      %dma_start3A_21 = arith.constant 0 : i32
      %dma_start3A_22 = tpu.memref_slice %arg2[%dma_start3A, %dma_start3A_21] : memref<10112x128xf32, #tpu.memory_space<hbm>> -> memref<10112x128xf32, #tpu.memory_space<hbm>>
      tpu.enqueue_indirect_dma source(%dma_start3A_22 : memref<10112x128xf32, #tpu.memory_space<hbm>>) target(%arg8 : memref<128x128xf32, #tpu.memory_space<vmem>>) offsets(%arg6 : memref<128xi32, #tpu.memory_space<vmem>>) semaphore(%arg10 : memref<!tpu.dma_semaphore, #tpu.memory_space<semaphore_mem>>)
      %dma_wait3A = arith.constant 0 : i32
      %dma_wait3A_23 = arith.constant 0 : i32
      %dma_wait3A_24 = tpu.memref_slice %arg2[%dma_wait3A, %dma_wait3A_23] : memref<10112x128xf32, #tpu.memory_space<hbm>> -> memref<10112x128xf32, #tpu.memory_space<hbm>>
      tpu.wait_indirect_dma semaphore(%arg10 : memref<!tpu.dma_semaphore, #tpu.memory_space<semaphore_mem>>) src(%dma_wait3A_24 : memref<10112x128xf32, #tpu.memory_space<hbm>>) dst(%arg8 : memref<128x128xf32, #tpu.memory_space<vmem>>)
      "tpu.region"() ({
        %run_scoped3A = tpu.sem_alloc : memref<!tpu.dma_semaphore, #tpu.memory_space<semaphore_mem>>
        %dma_start3A_25 = arith.constant 0 : i32
        %dma_start3A_26 = arith.constant 0 : i32
        %dma_start3A_27 = tpu.memref_slice %arg9[%dma_start3A_25, %dma_start3A_26] : memref<10112x128xf32, #tpu.memory_space<vmem_shared>> -> memref<10112x128xf32, #tpu.memory_space<vmem_shared>>
        tpu.enqueue_indirect_dma source(%arg8 : memref<128x128xf32, #tpu.memory_space<vmem>>) target(%dma_start3A_27 : memref<10112x128xf32, #tpu.memory_space<vmem_shared>>) offsets(%arg7 : memref<128xi32, #tpu.memory_space<vmem>>) semaphore(%run_scoped3A : memref<!tpu.dma_semaphore, #tpu.memory_space<semaphore_mem>>) {add = true}
        %dma_wait3A_28 = arith.constant 0 : i32
        %dma_wait3A_29 = arith.constant 0 : i32
        %dma_wait3A_30 = tpu.memref_slice %arg9[%dma_wait3A_28, %dma_wait3A_29] : memref<10112x128xf32, #tpu.memory_space<vmem_shared>> -> memref<10112x128xf32, #tpu.memory_space<vmem_shared>>
        tpu.wait_indirect_dma semaphore(%run_scoped3A : memref<!tpu.dma_semaphore, #tpu.memory_space<semaphore_mem>>) src(%arg8 : memref<128x128xf32, #tpu.memory_space<vmem>>) dst(%dma_wait3A_30 : memref<10112x128xf32, #tpu.memory_space<vmem_shared>>)
        tpu.yield
      }) : () -> ()
    }
    %scan3A_11 = arith.constant 79 : i32
    %barrier3A_12 = arith.constant 0 : index
    tpu.barrier barrier_id(%barrier3A_12)
    %mul3A_13 = arith.constant 632 : i32
    %mul3A_14 = arith.muli %arg1, %mul3A_13 : i32
    %mul3A_15 = arith.constant 632 : i32
    %mul3A_16 = arith.muli %arg1, %mul3A_15 : i32
    "tpu.region"() ({
      %run_scoped3A = tpu.sem_alloc : memref<!tpu.dma_semaphore, #tpu.memory_space<semaphore_mem>>
      %dma_start3A = arith.constant 0 : i32
      %dma_start3A_17 = tpu.memref_slice %arg5[%arg0, %mul3A_16, %dma_start3A] : memref<2x10112x128xf32, #tpu.memory_space<hbm>> -> memref<1x632x128xf32, #tpu.memory_space<hbm>>
      %dma_start3A_18 = tpu.memref_squeeze %dma_start3A_17 : memref<1x632x128xf32, #tpu.memory_space<hbm>> -> memref<632x128xf32, #tpu.memory_space<hbm>>
      %dma_start3A_19 = arith.constant 0 : i32
      %dma_start3A_20 = tpu.memref_slice %arg9[%mul3A_14, %dma_start3A_19] : memref<10112x128xf32, #tpu.memory_space<vmem_shared>> -> memref<632x128xf32, #tpu.memory_space<vmem_shared>>
      tpu.enqueue_dma source(%dma_start3A_20 : memref<632x128xf32, #tpu.memory_space<vmem_shared>>) target(%dma_start3A_18 : memref<632x128xf32, #tpu.memory_space<hbm>>) target_semaphore(%run_scoped3A : memref<!tpu.dma_semaphore, #tpu.memory_space<semaphore_mem>>)
      %dma_wait3A = arith.constant 0 : i32
      %dma_wait3A_21 = tpu.memref_slice %arg5[%arg0, %mul3A_16, %dma_wait3A] : memref<2x10112x128xf32, #tpu.memory_space<hbm>> -> memref<1x632x128xf32, #tpu.memory_space<hbm>>
      %dma_wait3A_22 = tpu.memref_squeeze %dma_wait3A_21 : memref<1x632x128xf32, #tpu.memory_space<hbm>> -> memref<632x128xf32, #tpu.memory_space<hbm>>
      %dma_wait3A_23 = arith.constant 0 : i32
      %dma_wait3A_24 = tpu.memref_slice %arg9[%mul3A_14, %dma_wait3A_23] : memref<10112x128xf32, #tpu.memory_space<vmem_shared>> -> memref<632x128xf32, #tpu.memory_space<vmem_shared>>
      tpu.wait_dma2 semaphore(%run_scoped3A : memref<!tpu.dma_semaphore, #tpu.memory_space<semaphore_mem>>) src(%dma_wait3A_24 : memref<632x128xf32, #tpu.memory_space<vmem_shared>>) dst(%dma_wait3A_22 : memref<632x128xf32, #tpu.memory_space<hbm>>)
      tpu.yield
    }) : () -> ()
    return
  }
}

module attributes {stable_mosaic.version = 14 : i64} {
  func.func @body(%arg0: memref<2x10112x128xf32, #tpu.memory_space<vmem>>, %arg1: memref<10112x128xf32, #tpu.memory_space<vmem>>, %arg2: memref<128x128xf32, #tpu.memory_space<vmem>>, %arg3: memref<10112x1xf32, #tpu.memory_space<vmem>>, %arg4: memref<10112x128xf32, #tpu.memory_space<vmem>>) attributes {dimension_semantics = [], scalar_prefetch = 0 : i64, scratch_operands = 0 : i64, tpu.core_type = #tpu.core_type<tc>} {
    %get3A = arith.constant 0 : index
    %get3A_0 = arith.constant 0 : index
    %get3A_1 = arith.constant 0 : index
    %get3A_2 = vector.load %arg0[%get3A, %get3A_0, %get3A_1] : memref<2x10112x128xf32, #tpu.memory_space<vmem>>, vector<1x10112x1xf32>
    %get3A_3 = vector.shape_cast %get3A_2 : vector<1x10112x1xf32> to vector<10112x1xf32>
    %get3A_4 = arith.constant 1 : index
    %get3A_5 = arith.constant 0 : index
    %get3A_6 = arith.constant 0 : index
    %get3A_7 = vector.load %arg0[%get3A_4, %get3A_5, %get3A_6] : memref<2x10112x128xf32, #tpu.memory_space<vmem>>, vector<1x10112x1xf32>
    %get3A_8 = vector.shape_cast %get3A_7 : vector<1x10112x1xf32> to vector<10112x1xf32>
    %add3A = arith.addf %get3A_3, %get3A_8 : vector<10112x1xf32>
    %add3A_9 = arith.constant 1.000000e+00 : f32
    %add3A_10 = vector.broadcast %add3A_9 : f32 to vector<10112x1xf32>
    %add3A_11 = arith.addf %add3A, %add3A_10 : vector<10112x1xf32>
    %iota3A = tpu.iota {dimensions = array<i32: 0>} : vector<10112x1xi32>
    %lt3A = arith.constant 10000 : i32
    %lt3A_12 = vector.broadcast %lt3A : i32 to vector<10112x1xi32>
    %lt3A_13 = arith.cmpi slt, %iota3A, %lt3A_12 : vector<10112x1xi32>
    %rsqrt3A = math.rsqrt %add3A_11 : vector<10112x1xf32>
    %jit3A = arith.constant 0.000000e+00 : f32
    %broadcast_in_dim3A = vector.broadcast %jit3A : f32 to vector<10112x1xf32>
    %select_n3A = arith.select %lt3A_13, %rsqrt3A, %broadcast_in_dim3A : vector<10112x1xi1>, vector<10112x1xf32>
    %swap3A = arith.constant 0 : index
    %swap3A_14 = arith.constant 0 : index
    %swap3A_15 = vector.load %arg3[%swap3A, %swap3A_14] : memref<10112x1xf32, #tpu.memory_space<vmem>>, vector<10112x1xf32>
    tpu.vector_store %arg3[%swap3A, %swap3A_14], %select_n3A {strides = array<i32>} : memref<10112x1xf32, #tpu.memory_space<vmem>>, vector<10112x1xf32>,
    %get3A_16 = arith.constant 0 : index
    %get3A_17 = arith.constant 0 : index
    %get3A_18 = vector.load %arg1[%get3A_16, %get3A_17] : memref<10112x128xf32, #tpu.memory_space<vmem>>, vector<10112x128xf32>
    %get3A_19 = arith.constant 0 : index
    %get3A_20 = arith.constant 0 : index
    %get3A_21 = vector.load %arg2[%get3A_19, %get3A_20] : memref<128x128xf32, #tpu.memory_space<vmem>>, vector<128x128xf32>
    %dot_general3A = arith.constant dense<0.000000e+00> : vector<10112x128xf32>
    %dot_general3A_22 = tpu.matmul %get3A_18, %get3A_21, %dot_general3A {dimension_numbers = #tpu.dot_dimension_numbers<[1], [0], [0], [1], [0, 0, 1, 1], [], []>, transpose_lhs_hint = false} : vector<10112x128xf32>, vector<128x128xf32>, vector<10112x128xf32> -> vector<10112x128xf32>
    %mul3A = vector.broadcast %select_n3A : vector<10112x1xf32> to vector<10112x128xf32>
    %mul3A_23 = arith.mulf %dot_general3A_22, %mul3A : vector<10112x128xf32>
    %swap3A_24 = arith.constant 0 : index
    %swap3A_25 = arith.constant 0 : index
    %swap3A_26 = vector.load %arg4[%swap3A_24, %swap3A_25] : memref<10112x128xf32, #tpu.memory_space<vmem>>, vector<10112x128xf32>
    tpu.vector_store %arg4[%swap3A_24, %swap3A_25], %mul3A_23 {strides = array<i32>} : memref<10112x128xf32, #tpu.memory_space<vmem>>, vector<10112x128xf32>,
    return
  }
}

module attributes {stable_mosaic.version = 14 : i64} {
  func.func @_mid_body(%arg0: memref<2x10112x128xf32, #tpu.memory_space<vmem>>, %arg1: memref<10112x128xf32, #tpu.memory_space<vmem>>, %arg2: memref<10112x1xf32, #tpu.memory_space<vmem>>, %arg3: memref<1x128xf32, #tpu.memory_space<vmem>>, %arg4: memref<128x128xf32, #tpu.memory_space<vmem>>, %arg5: memref<10112x128xf32, #tpu.memory_space<vmem>>) attributes {dimension_semantics = [], scalar_prefetch = 0 : i64, scratch_operands = 0 : i64, tpu.core_type = #tpu.core_type<tc>} {
    %get3A = arith.constant 0 : index
    %get3A_0 = arith.constant 0 : index
    %get3A_1 = vector.load %arg2[%get3A, %get3A_0] : memref<10112x1xf32, #tpu.memory_space<vmem>>, vector<10112x1xf32>
    %get3A_2 = arith.constant 0 : index
    %get3A_3 = arith.constant 0 : index
    %get3A_4 = arith.constant 0 : index
    %get3A_5 = vector.load %arg0[%get3A_2, %get3A_3, %get3A_4] : memref<2x10112x128xf32, #tpu.memory_space<vmem>>, vector<1x10112x128xf32>
    %get3A_6 = vector.shape_cast %get3A_5 : vector<1x10112x128xf32> to vector<10112x128xf32>
    %get3A_7 = arith.constant 1 : index
    %get3A_8 = arith.constant 0 : index
    %get3A_9 = arith.constant 0 : index
    %get3A_10 = vector.load %arg0[%get3A_7, %get3A_8, %get3A_9] : memref<2x10112x128xf32, #tpu.memory_space<vmem>>, vector<1x10112x128xf32>
    %get3A_11 = vector.shape_cast %get3A_10 : vector<1x10112x128xf32> to vector<10112x128xf32>
    %add3A = arith.addf %get3A_6, %get3A_11 : vector<10112x128xf32>
    %get3A_12 = arith.constant 0 : index
    %get3A_13 = arith.constant 0 : index
    %get3A_14 = vector.load %arg1[%get3A_12, %get3A_13] : memref<10112x128xf32, #tpu.memory_space<vmem>>, vector<10112x128xf32>
    %sub3A = arith.subf %add3A, %get3A_14 : vector<10112x128xf32>
    %mul3A = vector.broadcast %get3A_1 : vector<10112x1xf32> to vector<10112x128xf32>
    %mul3A_15 = arith.mulf %sub3A, %mul3A : vector<10112x128xf32>
    %get3A_16 = arith.constant 0 : index
    %get3A_17 = arith.constant 0 : index
    %get3A_18 = vector.load %arg3[%get3A_16, %get3A_17] : memref<1x128xf32, #tpu.memory_space<vmem>>, vector<1x128xf32>
    %add3A_19 = vector.broadcast %get3A_18 : vector<1x128xf32> to vector<10112x128xf32>
    %add3A_20 = arith.addf %mul3A_15, %add3A_19 : vector<10112x128xf32>
    %max3A = arith.constant 0.000000e+00 : f32
    %max3A_21 = vector.broadcast %max3A : f32 to vector<10112x128xf32>
    %max3A_22 = arith.maximumf %add3A_20, %max3A_21 : vector<10112x128xf32>
    %get3A_23 = arith.constant 0 : index
    %get3A_24 = arith.constant 0 : index
    %get3A_25 = vector.load %arg4[%get3A_23, %get3A_24] : memref<128x128xf32, #tpu.memory_space<vmem>>, vector<128x128xf32>
    %dot_general3A = arith.constant dense<0.000000e+00> : vector<10112x128xf32>
    %dot_general3A_26 = tpu.matmul %max3A_22, %get3A_25, %dot_general3A {dimension_numbers = #tpu.dot_dimension_numbers<[1], [0], [0], [1], [0, 0, 1, 1], [], []>, transpose_lhs_hint = false} : vector<10112x128xf32>, vector<128x128xf32>, vector<10112x128xf32> -> vector<10112x128xf32>
    %mul3A_27 = vector.broadcast %get3A_1 : vector<10112x1xf32> to vector<10112x128xf32>
    %mul3A_28 = arith.mulf %dot_general3A_26, %mul3A_27 : vector<10112x128xf32>
    %swap3A = arith.constant 0 : index
    %swap3A_29 = arith.constant 0 : index
    %swap3A_30 = vector.load %arg5[%swap3A, %swap3A_29] : memref<10112x128xf32, #tpu.memory_space<vmem>>, vector<10112x128xf32>
    tpu.vector_store %arg5[%swap3A, %swap3A_29], %mul3A_28 {strides = array<i32>} : memref<10112x128xf32, #tpu.memory_space<vmem>>, vector<10112x128xf32>,
    return
  }
}

module attributes {stable_mosaic.version = 14 : i64} {
  func.func @_final_body(%arg0: memref<2x10112x128xf32, #tpu.memory_space<vmem>>, %arg1: memref<10112x128xf32, #tpu.memory_space<vmem>>, %arg2: memref<10112x1xf32, #tpu.memory_space<vmem>>, %arg3: memref<1x128xf32, #tpu.memory_space<vmem>>, %arg4: memref<10112x1xi32, #tpu.memory_space<vmem>>, %arg5: memref<128x12xf32, #tpu.memory_space<vmem>>, %arg6: memref<1x12xf32, #tpu.memory_space<vmem>>, %arg7: memref<32x12xf32, #tpu.memory_space<vmem>>) attributes {dimension_semantics = [], scalar_prefetch = 0 : i64, scratch_operands = 0 : i64, tpu.core_type = #tpu.core_type<tc>} {
    %get3A = arith.constant 0 : index
    %get3A_0 = arith.constant 0 : index
    %get3A_1 = arith.constant 0 : index
    %get3A_2 = vector.load %arg0[%get3A, %get3A_0, %get3A_1] : memref<2x10112x128xf32, #tpu.memory_space<vmem>>, vector<1x10112x128xf32>
    %get3A_3 = vector.shape_cast %get3A_2 : vector<1x10112x128xf32> to vector<10112x128xf32>
    %get3A_4 = arith.constant 1 : index
    %get3A_5 = arith.constant 0 : index
    %get3A_6 = arith.constant 0 : index
    %get3A_7 = vector.load %arg0[%get3A_4, %get3A_5, %get3A_6] : memref<2x10112x128xf32, #tpu.memory_space<vmem>>, vector<1x10112x128xf32>
    %get3A_8 = vector.shape_cast %get3A_7 : vector<1x10112x128xf32> to vector<10112x128xf32>
    %add3A = arith.addf %get3A_3, %get3A_8 : vector<10112x128xf32>
    %get3A_9 = arith.constant 0 : index
    %get3A_10 = arith.constant 0 : index
    %get3A_11 = vector.load %arg1[%get3A_9, %get3A_10] : memref<10112x128xf32, #tpu.memory_space<vmem>>, vector<10112x128xf32>
    %sub3A = arith.subf %add3A, %get3A_11 : vector<10112x128xf32>
    %get3A_12 = arith.constant 0 : index
    %get3A_13 = arith.constant 0 : index
    %get3A_14 = vector.load %arg2[%get3A_12, %get3A_13] : memref<10112x1xf32, #tpu.memory_space<vmem>>, vector<10112x1xf32>
    %mul3A = vector.broadcast %get3A_14 : vector<10112x1xf32> to vector<10112x128xf32>
    %mul3A_15 = arith.mulf %sub3A, %mul3A : vector<10112x128xf32>
    %get3A_16 = arith.constant 0 : index
    %get3A_17 = arith.constant 0 : index
    %get3A_18 = vector.load %arg3[%get3A_16, %get3A_17] : memref<1x128xf32, #tpu.memory_space<vmem>>, vector<1x128xf32>
    %add3A_19 = vector.broadcast %get3A_18 : vector<1x128xf32> to vector<10112x128xf32>
    %add3A_20 = arith.addf %mul3A_15, %add3A_19 : vector<10112x128xf32>
    %iota3A = tpu.iota {dimensions = array<i32: 1>} : vector<1x32xi32>
    %get3A_21 = arith.constant 0 : index
    %get3A_22 = arith.constant 0 : index
    %get3A_23 = vector.load %arg4[%get3A_21, %get3A_22] : memref<10112x1xi32, #tpu.memory_space<vmem>>, vector<10112x1xi32>
    %eq3A = vector.broadcast %get3A_23 : vector<10112x1xi32> to vector<10112x32xi32>
    %eq3A_24 = vector.broadcast %iota3A : vector<1x32xi32> to vector<10112x32xi32>
    %eq3A_25 = arith.cmpi eq, %eq3A, %eq3A_24 : vector<10112x32xi32>
    %convert_element_type3A = arith.extui %eq3A_25 : vector<10112x32xi1> to vector<10112x32xi32>
    %convert_element_type3A_26 = arith.sitofp %convert_element_type3A : vector<10112x32xi32> to vector<10112x32xf32>
    %dot_general3A = arith.constant dense<0.000000e+00> : vector<32x128xf32>
    %dot_general3A_27 = tpu.matmul %convert_element_type3A_26, %add3A_20, %dot_general3A {dimension_numbers = #tpu.dot_dimension_numbers<[0], [0], [1], [1], [0, 1, 1, 1], [], []>, transpose_lhs_hint = false} : vector<10112x32xf32>, vector<10112x128xf32>, vector<32x128xf32> -> vector<32x128xf32>
    %reduce_sum3A = arith.constant dense<0.000000e+00> : vector<32xf32>
    %reduce_sum3A_28 = vector.multi_reduction <add>, %convert_element_type3A_26, %reduce_sum3A [0] : vector<10112x32xf32> to vector<32xf32>
    %broadcast_in_dim3A = vector.shape_cast %reduce_sum3A_28 : vector<32xf32> to vector<32x1xf32>
    %max3A = arith.constant 1.000000e+00 : f32
    %max3A_29 = vector.broadcast %max3A : f32 to vector<32x1xf32>
    %max3A_30 = arith.maximumf %broadcast_in_dim3A, %max3A_29 : vector<32x1xf32>
    %div3A = vector.broadcast %max3A_30 : vector<32x1xf32> to vector<32x128xf32>
    %div3A_31 = arith.divf %dot_general3A_27, %div3A : vector<32x128xf32>
    %get3A_32 = arith.constant 0 : index
    %get3A_33 = arith.constant 0 : index
    %get3A_34 = vector.load %arg5[%get3A_32, %get3A_33] : memref<128x12xf32, #tpu.memory_space<vmem>>, vector<128x12xf32>
    %dot_general3A_35 = arith.constant dense<0.000000e+00> : vector<32x12xf32>
    %dot_general3A_36 = tpu.matmul %div3A_31, %get3A_34, %dot_general3A_35 {dimension_numbers = #tpu.dot_dimension_numbers<[1], [0], [0], [1], [0, 0, 1, 1], [], []>, transpose_lhs_hint = false} : vector<32x128xf32>, vector<128x12xf32>, vector<32x12xf32> -> vector<32x12xf32>
    %get3A_37 = arith.constant 0 : index
    %get3A_38 = arith.constant 0 : index
    %get3A_39 = vector.load %arg6[%get3A_37, %get3A_38] : memref<1x12xf32, #tpu.memory_space<vmem>>, vector<1x12xf32>
    %add3A_40 = vector.broadcast %get3A_39 : vector<1x12xf32> to vector<32x12xf32>
    %add3A_41 = arith.addf %dot_general3A_36, %add3A_40 : vector<32x12xf32>
    %swap3A = arith.constant 0 : index
    %swap3A_42 = arith.constant 0 : index
    %swap3A_43 = vector.load %arg7[%swap3A, %swap3A_42] : memref<32x12xf32, #tpu.memory_space<vmem>>, vector<32x12xf32>
    tpu.vector_store %arg7[%swap3A, %swap3A_42], %add3A_41 {strides = array<i32>} : memref<32x12xf32, #tpu.memory_space<vmem>>, vector<32x12xf32>,
    return
  }
}

</mosaic_0001>

<sc_bundles>
// kernel: kernel.10.cloned.1.call-start
scs
__scs_entry_jumppad:
0x0: {  	(pc) =	sbr.rel $0x88, $3  }
0x1: {  	(tag) =	ssettag $0x0;
	lr =	simm.s32 $0x1  }
0x2: {  	[smem:$0x3F96] =	sst lr;
	_ =	strace $0xD0000000  }
0x3: {  	_ = 	snop  }
0x4: {  	_ = 	snop  }
0x5: {  	_ = 	snop  }
0x6: {  	_ = 	snop  }
0x7: {  	_ = 	snop  }
__scs_overlays_trampoline_lowered:
0x8: {  	[smem:$0x3FA5] =	sst s0  }
0x9: {  	[smem:$0x3FA6] =	sst s1  }
0xa: {  	[smem:$0x3FA7] =	sst s2  }
0xb: {  	[smem:$0x3FA8] =	sst s3  }
0xc: {  	[smem:$0x3FA9] =	sst s4  }
0xd: {  	[smem:$0x3FAA] =	sst s5  }
0xe: {  	[smem:$0x3FAB] =	sst s6  }
0xf: {  	[smem:$0x3FAC] =	sst s7  }
0x10: {  	[smem:$0x3FAD] =	sst s8  }
0x11: {  	[smem:$0x3FAE] =	sst s9;
	s0 =	simm.s32 @!p0 $0x0  }
0x12: {  	s1 =	sld [smem:$0x3F94];
	s0 =	simm.s32 @p0 $0x1  }
0x13: {  	[smem:$0x3FAF] =	sst s0;
	s0 =	simm.s32 @!p1 $0x0  }
0x14: {  	s2 =	sld [smem:$0x3F93];
	s0 =	simm.s32 @p1 $0x1  }
0x15: {  	[smem:$0x3FB0] =	sst s0;
	s0 =	simm.s32 @!p2 $0x0  }
0x16: {  	s3 =	sld [smem:$0x3FDB];
	s0 =	simm.s32 @p2 $0x1  }
0x17: {  	s4 =	simm.s32 $0x1BF5;
	[smem:$0x3FB2] =	sst s0  }
0x18: {  	s0 =	sld [smem:$0x3F95];
	_ =	swait.ge [sflag:s4], $0x0  }
0x19: {  	s7 =	sld [smem:$0x3F96]  }
0x1a: {  	s8 =	sadd.s32 $0xFFFFE003, lr  }
0x1b: {  	s9 =	sadd.s32 $0xFFFFFEF7, lr;
	s5 =	simm.s32 $0xFFFFFFFF;
	p2 =	slt.u32 s8, $0xFFFFF086  }
0x1c: {  	p1 =	slt.u32 s9, $0xF7A;
	s5 =	simm.s32 @!p2 $0x0  }
0x1d: {  	s5 =	simm.s32 @p1 $0x1;
	p0 =	seq.s32 s7, s2  }
0x1e: {  	s7 =	smul.u32 @!p0 $0xF7A, s2;
	p2 =	seq.s32 @!p0 s5, $0x0  }
0x1f: {  	s9 =	smul.u32 $0xF7A, s1;
	s8 =	simm.s32 @!p0 $0x1BF5;
	p2 =	por !p2, p0  }
0x20: {  	[sflag:s8] =	ssyncset.s32 @!p0 $0xFFFFF086;
	s6 =	sadd.s32 @!p0 s3, s7;
	s7 =	simm.s32 @!p0 $0x108  }
0x21: {  	s3 =	sadd.s32 s3, s9;
	s6 =	sadd.s32 @!p0 $0x88, s6;
	s7 =	simm.s32 @p2 $0x1082  }
0x22: {  	[simem:s7], [sflag:s8] =	dma.local @!p0 [hbm:s6], $0xF7A  }
0x23: {  	s9 =	sor.u32 $0xD0000000, s2;
	s6 =	simm.s32 $0x108;
	_ =	swait.ge @!p0 [sflag:s8], $0x0  }
0x24: {  	s3 =	sadd.s32 $0x88, s3;
	s6 =	simm.s32 @!p1 $0x1082;
	[sflag:s4] =	ssyncset.s32 $0xFFFFF086  }
0x25: {  	[simem:s6], [sflag:s4] =	dma.local [hbm:s3], $0xF7A  }
0x26: {  	[smem:$0x3F96] =	sst s1;
	(tag) =	ssettag s2;
	_ =	strace s9  }
0x27: {  	s1 =	sld [smem:$0x3FA6]  }
0x28: {  	s2 =	sld [smem:$0x3FA7]  }
0x29: {  	s4 =	sld [smem:$0x3FA9]  }
0x2a: {  	p0 =	seq.s32 s5, $0x0;
	s5 =	sld [smem:$0x3FAA]  }
0x2b: {  	s6 =	sld [smem:$0x3FAB]  }
0x2c: {  	s7 =	sld [smem:$0x3FAC]  }
0x2d: {  	s3 =	simm.s32 $0x108;
	s8 =	sld [smem:$0x3FAD]  }
0x2e: {  	s3 =	simm.s32 @!p0 $0x1082;
	s9 =	sld [smem:$0x3FAE]  }
0x2f: {  	lr =	sadd.s32 s0, s3;
	s0 =	sld [smem:$0x3FA5]  }
0x30: {  	s3 =	sld [smem:$0x3FA8]  }
0x31: {  	[smem:$0x3FB1] =	sst s10  }
0x32: {  	s10 =	sld [smem:$0x3FAF];
	_ =	sdelay $0x3  }
0x33: {  	p0 =	seq.s32 s10, $0x1;
	s10 =	sld [smem:$0x3FB1];
	_ =	sdelay $0x3  }
0x34: {  	[smem:$0x3FB1] =	sst s10  }
0x35: {  	s10 =	sld [smem:$0x3FB0];
	_ =	sdelay $0x3  }
0x36: {  	p1 =	seq.s32 s10, $0x1;
	s10 =	sld [smem:$0x3FB1];
	_ =	sdelay $0x3  }
0x37: {  	[smem:$0x3FB1] =	sst s10  }
0x38: {  	s10 =	sld [smem:$0x3FB2]  }
0x39: {  	_ = 	snop;
	(pc) =	sbr.ind lr, $3  }
0x3a: {  	_ = 	snop  }
0x3b: {  	_ = 	snop  }
0x3c: {  	p2 =	seq.s32 s10, $0x1;
	s10 =	sld [smem:$0x3FB1]  }
0x3d: {  	_ =	shalt  }
0x3e: {  	_ =	shalt  }
0x3f: {  	_ =	shalt  }
0x40: {  	_ =	shalt  }
0x41: {  	_ =	shalt  }
0x42: {  	_ =	shalt  }
0x43: {  	_ =	shalt  }
0x44: {  	_ =	shalt  }
0x45: {  	_ =	shalt  }
0x46: {  	_ =	shalt  }
0x47: {  	_ =	shalt  }
0x48: {  	_ =	shalt  }
0x49: {  	_ =	shalt  }
0x4a: {  	_ =	shalt  }
0x4b: {  	_ =	shalt  }
0x4c: {  	_ =	shalt  }
0x4d: {  	_ =	shalt  }
0x4e: {  	_ =	shalt  }
0x4f: {  	_ =	shalt  }
0x50: {  	_ =	shalt  }
0x51: {  	_ =	shalt  }
0x52: {  	_ =	shalt  }
0x53: {  	_ =	shalt  }
0x54: {  	_ =	shalt  }
0x55: {  	_ =	shalt  }
0x56: {  	_ =	shalt  }
0x57: {  	_ =	shalt  }
0x58: {  	_ =	shalt  }
0x59: {  	_ =	shalt  }
0x5a: {  	_ =	shalt  }
0x5b: {  	_ =	shalt  }
0x5c: {  	_ =	shalt  }
0x5d: {  	_ =	shalt  }
0x5e: {  	_ =	shalt  }
0x5f: {  	_ =	shalt  }
0x60: {  	_ =	shalt  }
0x61: {  	_ =	shalt  }
0x62: {  	_ =	shalt  }
0x63: {  	_ =	shalt  }
0x64: {  	_ =	shalt  }
0x65: {  	_ =	shalt  }
0x66: {  	_ =	shalt  }
0x67: {  	_ =	shalt  }
0x68: {  	_ =	shalt  }
0x69: {  	_ =	shalt  }
0x6a: {  	_ =	shalt  }
0x6b: {  	_ =	shalt  }
0x6c: {  	_ =	shalt  }
0x6d: {  	_ =	shalt  }
0x6e: {  	_ =	shalt  }
0x6f: {  	_ =	shalt  }
0x70: {  	_ =	shalt  }
0x71: {  	_ =	shalt  }
0x72: {  	_ =	shalt  }
0x73: {  	_ =	shalt  }
0x74: {  	_ =	shalt  }
0x75: {  	_ =	shalt  }
0x76: {  	_ =	shalt  }
0x77: {  	_ =	shalt  }
0x78: {  	_ =	shalt  }
0x79: {  	_ =	shalt  }
0x7a: {  	_ =	shalt  }
0x7b: {  	_ =	shalt  }
0x7c: {  	_ =	shalt  }
0x7d: {  	_ =	shalt  }
0x7e: {  	_ =	shalt  }
0x7f: {  	_ =	shalt  }
0x80: {  	_ =	shalt  }
0x81: {  	_ =	shalt  }
0x82: {  	_ =	shalt  }
0x83: {  	_ =	shalt  }
0x84: {  	_ =	shalt  }
0x85: {  	_ =	shalt  }
0x86: {  	_ =	shalt  }
0x87: {  	_ =	shalt  }
.Lfunc_end0:
.L_simem_size_0:
called_computation_lowered:
.L_overlay_start_0:
0x88: {  	s2 =	sld [smem:$0x3FD9]  }
0x89: {  	s3 =	sld [smem:$0x3FFE];
	_ =	sdelay $0x1  }
0x8a: {  	s1 =	srdreg.scid  }
0x8b: {  	s0 =	sand.u32 $0x1, s1  }
0x8c: {  	s16 =	sshll.u32 s0, $0xA;
	s2 =	sadd.s32 s3, s2  }
0x8d: {  	s2 =	sadd.s32 s2, s16  }
0x8e: {  	[smem:$0x3FBD] =	sst s2  }
0x8f: {  	_ = 	snop  }
0x90: {  	(tm) =	ssettm $0x1  }
0x91: {  	s17 =	sld [smem:$0x3FFB];
	_ =	sdelay $0x3  }
0x92: {  	_ =	strace s17  }
0x93: {  	s2 =	sld [smem:$0x3FFC];
	_ =	sdelay $0x3  }
0x94: {  	_ =	strace s2  }
0x95: {  	s2 =	sld [smem:$0x3FFD];
	_ =	sdelay $0x3  }
0x96: {  	_ =	strace s2  }
0x97: {  	_ =	strace $0x8FFFFFFF  }
0x98: {  	s18 =	sld [smem:$0x3FDB];
	_ =	sdelay $0x1  }
0x99: {  	s19 =	simm.s32 $_scs_section_size  }
0x9a: {  	s4 =	simm.s32 $_size__tile_overlayer_lowered;
	s5 =	simm.s32 $_tile_overlayer_lowered  }
0x9b: {  	s22 =	simm.s32 $0x1BFF;
	s21 =	sshll.u32 s5, $0x1;
	s2 =	sadd.s32 s19, s18  }
0x9c: {  	s6 =	simm.s32 $0x0;
	s20 =	sshll.u32 s4, $0x1;
	s4 =	sadd.s32 s21, s2  }
0x9d: {  	[timem:s6], [sflag:s22] =	dma.local [hbm:s4], s20  }
0x9e: {  	_ =	swait.ge [sflag:s22], s20  }
0x9f: {  	s3 =	ssub.s32 $0x0, s20;
	[sflag:s22] =	ssyncset.done $0x0  }
0xa0: {  	[sflag:s22] =	ssyncadd.s32 s3;
	_ =	sdelay $0x1  }
0xa1: {  	s23 =	simm.s32 $0x1B8B  }
0xa2: {  	_ =	swait.ge [sflag:s23], $0x1  }
0xa3: {  	[sflag:s23] =	ssyncset.done $0x0  }
0xa4: {  	s25 =	simm.s32 $0x1B8E;
	s24 =	sld [smem:$0x3FFE];
	[sflag:s23] =	ssyncadd.s32 $0xFFFFFFFF  }
0xa5: {  	s26 =	simm.s32 $execute0_lowered;
	[smem:$0x3FD2] =	sst s25  }
0xa6: {  	s4 =	sshll.u32 s26, $0x1;
	_ =	strace $0x80000046;
	[dreg:$0x1] =	wrdreg $0xFFFFFFFF  }
0xa7: {  	s28 =	simm.s32 $_size_execute0_lowered;
	s2 =	sadd.s32 s2, s4;
	[dreg:$0x0] =	wrdreg $0x0  }
0xa8: {  	s4 =	sshll.u32 s28, $0x1;
	[dreg:$0x2] =	wrdreg s2  }
0xa9: {  	[dreg:$0x3] =	wrdreg s4  }
0xaa: {  	[dreg:$0x4] =	wrdreg $0xC0  }
0xab: {  	_ =	task [dreg:s6], $0x5FFFF  }
0xac: {  	[dreg:$0x1] =	wrdreg $0xFFFFFFFF  }
0xad: {  	[dreg:$0x0] =	wrdreg $0x60  }
0xae: {  	[dreg:$0x2] =	wrdreg s24  }
0xaf: {  	[dreg:$0x3] =	wrdreg $0x40800  }
0xb0: {  	[dreg:$0x4] =	wrdreg $0x9  }
0xb1: {  	_ =	task.clear_ibuf [dreg:s6], $0x5FFFF;
	_ =	strace $0x90000046  }
0xb2: {  	s29 =	simm.s32 $0x9;
	_ =	strace $0x80000048  }
0xb3: {  	_ =	swait.ge [sflag:s29], $0x1  }
0xb4: {  	[sflag:s29] =	ssyncadd.s32 $0xFFFFFFFF  }
0xb5: {  	_ =	strace $0x90000048  }
0xb6: {  	_ =	sfence  }
0xb7: {  	s30 =	sld [smem:$0x0];
	_ =	sdelay $0x2  }
0xb8: {  	s31 =	sshll.u32 s1, $0xD;
	s1 =	sshrl.u32 s1, $0x2  }
0xb9: {  	s3 =	sand.u32 $0x4000, s31;
	s1 =	sadd.s32 s1, s30  }
0xba: {  	s0 =	sor.u32 s3, s0;
	s1 =	sshll.u32 s1, $0x11  }
0xbb: {  	s0 =	sor.u32 s1, s0  }
0xbc: {  	s0 =	sadd.s32 $0x8F2B, s0  }
0xbd: {  	[sflag:s0] =	ssyncadd.remote.s32 $0x1  }
0xbe: {  	_ =	sfence.sel $0xFFFF  }
0xbf: {  	[dreg:$0x0] =	wrdreg $0xFFFFFFFF;
	(pc) =	sbr.abs _section_cstart, $3  }
0xc0: {  	[dreg:$0x1] =	wrdreg $0xFFFFFFFF  }
0xc1: {  	_ =	task.clear_ibuf [dreg:s6], $0x2FFFF;
	_ =	strace $0x9FFFFFFF  }
0xc2: {  	(tm) =	ssettm $0x7FFFFFFF  }
0xc3: {  	_ =	shalt  }
tec
execute0_lowered:
.L_overlay_start_1:
0x0: {  	(tag) =	ssettag $0x1  }
0x1: {  	s6 =	rddreg [dreg:$0x0]  }
0x2: {  	s0 =	srdreg.scid;
	s2 =	stileid.u32  }
0x3: {  	s1 =	rddreg [dreg:$0x1];
	s9 =	smul.u32 $0x13C00, s2  }
0x4: {  	s3 =	simm.s32 $0x0;
	s13 =	simm.s32 $0x0;
	s28 =	smul.u32 $0x4F000, s2  }
0x5: {  	s7 =	sand.u32 $0x1, s0;
	s0 =	rddreg [dreg:$0x2];
	s11 =	smul.u32 $0x4F0, s2  }
0x6: {  	[smem:$0x7FF] =	sst s3;
	s5 =	sadd.s32 $0xCE00, s6;
	s4 =	smul.u32 $0x4F00, s7  }
0x7: {  	s31 =	sshll.u32 s2, $0x6;
	s8 =	smul.u32 $0x13C000, s7;
	s7 =	ssub.s32 $0x2, s7  }
0x8: {  	_ =	strace $0x80000047;
	s29 =	sshrl.u32 s7, $0x1;
	s10 =	sadd.s32 s4, s6  }
0x9: {  	s4 =	sadd.s32 $0xF600, s6;
	s8 =	sadd.s32 s9, s8;
	s9 =	sshrl.u32 s28, $0x2  }
0xa: {  	s7 =	ssub.s32 s7, s29;
	s8 =	sshrl.u32 s8, $0x3;
	s12 =	sadd.s32 s9, s1  }
0xb: {  	s30 =	sadd.s32 s11, s10;
	s7 =	smax.u32 s7, $0x1;
	s9 =	simm.s32 $0x80  }
0xc: {  	s10 =	simm.s32 $0x1;
	s11 =	sor.u32 $0x1C01, s31;
	s6 =	sadd.s32 s8, s6  }
0xd: {  	s8 =	sadd.s32 $0x3000, s30;
	s12 =	sshrl.u32 s12, $0x3;
	s6 =	sadd.s32 $0xFE00, s6  }
.LBB2_1:
0xe: {  	[tilespmem:s9], [sflag:$0x1] =	stream.linear.gather [hbm4b:s4+s3], $0x4000, $0x38;
	[tilespmem:$0x17C80] =	vst v63  }
0xf: {  	_ =	swait.ge [sflag:s10], $0x4000  }
0x10: {  	[sflag:s10] =	ssyncset.done $0x0  }
0x11: {  	[sflag:s10] =	ssyncadd.s32 $0xFFFFC000  }
0x12: {  	[spmem:s12], [sflag:s11] =	dma.local [hbm:s5], $0x2780  }
0x13: {  	_ =	swait.ge [sflag:s10], $0x2780  }
0x14: {  	[sflag:s10] =	ssyncset.done $0x0  }
0x15: {  	[sflag:s10] =	ssyncadd.s32 $0xFFFFD880  }
0x16: {  	s14 =	sadd.s32 $0x0, s8;
	[bflag:$0x0] =	sbarrier.arrive $0xFFFF  }
0x17: {  	[tilespmem:s3], [sflag:$0x1] =	stream.linear.gather [hbm4b:s14+s3], $0x80, $0x38;
	[tilespmem:$0x17C80] =	vst v63  }
0x18: {  	_ =	swait.ge [sflag:s10], $0x80  }
0x19: {  	[sflag:s10] =	ssyncset.done $0x0  }
0x1a: {  	[sflag:s10] =	ssyncadd.s32 $0xFFFFFF80  }
0x1b: {  	[spmem:s1] =	stream.indirect.scatter.add.f32 [tilespmem:s9], [sflag:$0x1], $0x80, s3, s9, $0xb8;
	[tilespmem:$0x17C80] =	vst v63  }
0x1c: {  	_ =	swait.ge [sflag:s10], $0x4000  }
0x1d: {  	s15 =	simm.s32 $0x20;
	s14 =	simm.s32 $0x10;
	[sflag:s10] =	ssyncset.done $0x0  }
.LBB2_2:
0x1e: {  	s16 =	sadd.s32 s14, s8  }
0x1f: {  	[sflag:s10] =	ssyncadd.s32 $0xFFFFC000;
	s14 =	smov.u32 s15;
	s17 =	sadd.s32 $0x10, s15  }
0x20: {  	[tilespmem:s3], [sflag:$0x1] =	stream.linear.gather [hbm4b:s16+s3], $0x80, $0x38;
	[tilespmem:$0x17C80] =	vst v63  }
0x21: {  	p0 =	sne.s32 s15, $0x4E0;
	_ =	swait.ge [sflag:s10], $0x80  }
.Ltmp0:
0x22: {  	[sflag:s10] =	ssyncset.done $0x0;
	(pc) =	sbr.rel @p0 .LBB2_2-.Ltmp0, $4  }
0x23: {  	[sflag:s10] =	ssyncadd.s32 $0xFFFFFF80  }
0x24: {  	[spmem:s1] =	stream.indirect.scatter.add.f32 [tilespmem:s9], [sflag:$0x1], $0x80, s3, s9, $0xb8;
	[tilespmem:$0x17C80] =	vst v63  }
0x25: {  	_ =	swait.ge [sflag:s10], $0x4000  }
0x26: {  	s15 =	smov.u32 s17;
	[sflag:s10] =	ssyncset.done $0x0  }
0x27: {  	s14 =	sadd.s32 s14, s8;
	[sflag:s10] =	ssyncadd.s32 $0xFFFFC000  }
0x28: {  	[tilespmem:s3], [sflag:$0x1] =	stream.linear.gather [hbm4b:s14+s3], $0x80, $0x38;
	[tilespmem:$0x17C80] =	vst v63  }
0x29: {  	_ =	swait.ge [sflag:s10], $0x80  }
0x2a: {  	[sflag:s10] =	ssyncset.done $0x0  }
0x2b: {  	[sflag:s10] =	ssyncadd.s32 $0xFFFFFF80  }
0x2c: {  	[spmem:s1] =	stream.indirect.scatter.add.f32 [tilespmem:s9], [sflag:$0x1], $0x80, s3, s9, $0xb8;
	[tilespmem:$0x17C80] =	vst v63  }
0x2d: {  	_ =	swait.ge [sflag:s10], $0x4000  }
0x2e: {  	s13 =	sadd.s32 $0x1, s13;
	[sflag:s10] =	ssyncset.done $0x0  }
0x2f: {  	p0 =	sne.s32 s13, s7;
	[sflag:s10] =	ssyncadd.s32 $0xFFFFC000  }
.Ltmp1:
0x30: {  	[bflag:$0x0] =	sbarrier.arrive $0xFFFF;
	(pc) =	sbr.rel @p0 .LBB2_1-.Ltmp1, $4  }
0x31: {  	[hbm:s6], [sflag:s11] =	dma.local [spmem:s12], $0x2780  }
0x32: {  	_ =	swait.ge [sflag:s10], $0x2780  }
0x33: {  	[sflag:s10] =	ssyncset.done $0x0  }
0x34: {  	[sflag:s10] =	ssyncadd.s32 $0xFFFFD880  }
0x35: {  	_ =	sfence.sel $0x180000  }
0x36: {  	[bflag:$0x0] =	sbarrier.arrive $0xFFFF  }
0x37: {  	p0 =	sne.s32 s2, $0x0;
	_ =	strace $0x90000047  }
0x38: {  	s0 =	sadd.s32 @!p0 $0x100000, s0;
	[bflag:$0x2] =	sbarrier.arrive $0xFFFF  }
0x39: {  	[sflag:s0] =	ssyncadd.tile.s32 @!p0 $0x1;
	_ =	shalt  }
.Lfunc_end2:
_tile_overlayer_lowered:
.L_overlay_start_2:
0x3a: {  	(tag) =	ssettag $0x2  }
0x3b: {  	s0 =	rddreg [dreg:$0x0];
	s2 =	stileid.u32  }
0x3c: {  	s1 =	rddreg [dreg:$0x1];
	p0 =	sne.s32 s2, $0x0  }
0x3d: {  	s3 =	rddreg [dreg:$0x2];
	[bflag:$0x3] =	sbarrier.arrive $0xFFFF;
	s2 =	simm.s32 @!p0 $0x1C01  }
0x3e: {  	[timem:s3], [sflag:s2] =	dma.local @!p0 [hbm:s0], s1  }
0x3f: {  	s0 =	simm.s32 @!p0 $0x1  }
0x40: {  	_ =	swait.ge @!p0 [sflag:s0], s1  }
0x41: {  	s1 =	ssub.s32 @!p0 $0x0, s1;
	[sflag:s0] =	ssyncset.done @!p0 $0x0  }
0x42: {  	[sflag:s0] =	ssyncadd.s32 @!p0 s1  }
0x43: {  	[bflag:$0x3] =	sbarrier.arrive $0xFFFF  }
0x44: {  	_ =	shalt  }

// kernel: kernel.13.cloned.1.call-start
scs
__scs_entry_jumppad:
0x0: {  	(pc) =	sbr.rel $0x88, $3  }
0x1: {  	(tag) =	ssettag $0x0;
	lr =	simm.s32 $0x1  }
0x2: {  	[smem:$0x3F96] =	sst lr;
	_ =	strace $0xD0000000  }
0x3: {  	_ = 	snop  }
0x4: {  	_ = 	snop  }
0x5: {  	_ = 	snop  }
0x6: {  	_ = 	snop  }
0x7: {  	_ = 	snop  }
__scs_overlays_trampoline_lowered:
0x8: {  	[smem:$0x3FA5] =	sst s0  }
0x9: {  	[smem:$0x3FA6] =	sst s1  }
0xa: {  	[smem:$0x3FA7] =	sst s2  }
0xb: {  	[smem:$0x3FA8] =	sst s3  }
0xc: {  	[smem:$0x3FA9] =	sst s4  }
0xd: {  	[smem:$0x3FAA] =	sst s5  }
0xe: {  	[smem:$0x3FAB] =	sst s6  }
0xf: {  	[smem:$0x3FAC] =	sst s7  }
0x10: {  	[smem:$0x3FAD] =	sst s8  }
0x11: {  	[smem:$0x3FAE] =	sst s9;
	s0 =	simm.s32 @!p0 $0x0  }
0x12: {  	s1 =	sld [smem:$0x3F94];
	s0 =	simm.s32 @p0 $0x1  }
0x13: {  	[smem:$0x3FAF] =	sst s0;
	s0 =	simm.s32 @!p1 $0x0  }
0x14: {  	s2 =	sld [smem:$0x3F93];
	s0 =	simm.s32 @p1 $0x1  }
0x15: {  	[smem:$0x3FB0] =	sst s0;
	s0 =	simm.s32 @!p2 $0x0  }
0x16: {  	s3 =	sld [smem:$0x3FDB];
	s0 =	simm.s32 @p2 $0x1  }
0x17: {  	s4 =	simm.s32 $0x1BF5;
	[smem:$0x3FB2] =	sst s0  }
0x18: {  	s0 =	sld [smem:$0x3F95];
	_ =	swait.ge [sflag:s4], $0x0  }
0x19: {  	s7 =	sld [smem:$0x3F96]  }
0x1a: {  	s8 =	sadd.s32 $0xFFFFE003, lr  }
0x1b: {  	s9 =	sadd.s32 $0xFFFFFEF7, lr;
	s5 =	simm.s32 $0xFFFFFFFF;
	p2 =	slt.u32 s8, $0xFFFFF086  }
0x1c: {  	p1 =	slt.u32 s9, $0xF7A;
	s5 =	simm.s32 @!p2 $0x0  }
0x1d: {  	s5 =	simm.s32 @p1 $0x1;
	p0 =	seq.s32 s7, s2  }
0x1e: {  	s7 =	smul.u32 @!p0 $0xF7A, s2;
	p2 =	seq.s32 @!p0 s5, $0x0  }
0x1f: {  	s9 =	smul.u32 $0xF7A, s1;
	s8 =	simm.s32 @!p0 $0x1BF5;
	p2 =	por !p2, p0  }
0x20: {  	[sflag:s8] =	ssyncset.s32 @!p0 $0xFFFFF086;
	s6 =	sadd.s32 @!p0 s3, s7;
	s7 =	simm.s32 @!p0 $0x108  }
0x21: {  	s3 =	sadd.s32 s3, s9;
	s6 =	sadd.s32 @!p0 $0x88, s6;
	s7 =	simm.s32 @p2 $0x1082  }
0x22: {  	[simem:s7], [sflag:s8] =	dma.local @!p0 [hbm:s6], $0xF7A  }
0x23: {  	s9 =	sor.u32 $0xD0000000, s2;
	s6 =	simm.s32 $0x108;
	_ =	swait.ge @!p0 [sflag:s8], $0x0  }
0x24: {  	s3 =	sadd.s32 $0x88, s3;
	s6 =	simm.s32 @!p1 $0x1082;
	[sflag:s4] =	ssyncset.s32 $0xFFFFF086  }
0x25: {  	[simem:s6], [sflag:s4] =	dma.local [hbm:s3], $0xF7A  }
0x26: {  	[smem:$0x3F96] =	sst s1;
	(tag) =	ssettag s2;
	_ =	strace s9  }
0x27: {  	s1 =	sld [smem:$0x3FA6]  }
0x28: {  	s2 =	sld [smem:$0x3FA7]  }
0x29: {  	s4 =	sld [smem:$0x3FA9]  }
0x2a: {  	p0 =	seq.s32 s5, $0x0;
	s5 =	sld [smem:$0x3FAA]  }
0x2b: {  	s6 =	sld [smem:$0x3FAB]  }
0x2c: {  	s7 =	sld [smem:$0x3FAC]  }
0x2d: {  	s3 =	simm.s32 $0x108;
	s8 =	sld [smem:$0x3FAD]  }
0x2e: {  	s3 =	simm.s32 @!p0 $0x1082;
	s9 =	sld [smem:$0x3FAE]  }
0x2f: {  	lr =	sadd.s32 s0, s3;
	s0 =	sld [smem:$0x3FA5]  }
0x30: {  	s3 =	sld [smem:$0x3FA8]  }
0x31: {  	[smem:$0x3FB1] =	sst s10  }
0x32: {  	s10 =	sld [smem:$0x3FAF];
	_ =	sdelay $0x3  }
0x33: {  	p0 =	seq.s32 s10, $0x1;
	s10 =	sld [smem:$0x3FB1];
	_ =	sdelay $0x3  }
0x34: {  	[smem:$0x3FB1] =	sst s10  }
0x35: {  	s10 =	sld [smem:$0x3FB0];
	_ =	sdelay $0x3  }
0x36: {  	p1 =	seq.s32 s10, $0x1;
	s10 =	sld [smem:$0x3FB1];
	_ =	sdelay $0x3  }
0x37: {  	[smem:$0x3FB1] =	sst s10  }
0x38: {  	s10 =	sld [smem:$0x3FB2]  }
0x39: {  	_ = 	snop;
	(pc) =	sbr.ind lr, $3  }
0x3a: {  	_ = 	snop  }
0x3b: {  	_ = 	snop  }
0x3c: {  	p2 =	seq.s32 s10, $0x1;
	s10 =	sld [smem:$0x3FB1]  }
0x3d: {  	_ =	shalt  }
0x3e: {  	_ =	shalt  }
0x3f: {  	_ =	shalt  }
0x40: {  	_ =	shalt  }
0x41: {  	_ =	shalt  }
0x42: {  	_ =	shalt  }
0x43: {  	_ =	shalt  }
0x44: {  	_ =	shalt  }
0x45: {  	_ =	shalt  }
0x46: {  	_ =	shalt  }
0x47: {  	_ =	shalt  }
0x48: {  	_ =	shalt  }
0x49: {  	_ =	shalt  }
0x4a: {  	_ =	shalt  }
0x4b: {  	_ =	shalt  }
0x4c: {  	_ =	shalt  }
0x4d: {  	_ =	shalt  }
0x4e: {  	_ =	shalt  }
0x4f: {  	_ =	shalt  }
0x50: {  	_ =	shalt  }
0x51: {  	_ =	shalt  }
0x52: {  	_ =	shalt  }
0x53: {  	_ =	shalt  }
0x54: {  	_ =	shalt  }
0x55: {  	_ =	shalt  }
0x56: {  	_ =	shalt  }
0x57: {  	_ =	shalt  }
0x58: {  	_ =	shalt  }
0x59: {  	_ =	shalt  }
0x5a: {  	_ =	shalt  }
0x5b: {  	_ =	shalt  }
0x5c: {  	_ =	shalt  }
0x5d: {  	_ =	shalt  }
0x5e: {  	_ =	shalt  }
0x5f: {  	_ =	shalt  }
0x60: {  	_ =	shalt  }
0x61: {  	_ =	shalt  }
0x62: {  	_ =	shalt  }
0x63: {  	_ =	shalt  }
0x64: {  	_ =	shalt  }
0x65: {  	_ =	shalt  }
0x66: {  	_ =	shalt  }
0x67: {  	_ =	shalt  }
0x68: {  	_ =	shalt  }
0x69: {  	_ =	shalt  }
0x6a: {  	_ =	shalt  }
0x6b: {  	_ =	shalt  }
0x6c: {  	_ =	shalt  }
0x6d: {  	_ =	shalt  }
0x6e: {  	_ =	shalt  }
0x6f: {  	_ =	shalt  }
0x70: {  	_ =	shalt  }
0x71: {  	_ =	shalt  }
0x72: {  	_ =	shalt  }
0x73: {  	_ =	shalt  }
0x74: {  	_ =	shalt  }
0x75: {  	_ =	shalt  }
0x76: {  	_ =	shalt  }
0x77: {  	_ =	shalt  }
0x78: {  	_ =	shalt  }
0x79: {  	_ =	shalt  }
0x7a: {  	_ =	shalt  }
0x7b: {  	_ =	shalt  }
0x7c: {  	_ =	shalt  }
0x7d: {  	_ =	shalt  }
0x7e: {  	_ =	shalt  }
0x7f: {  	_ =	shalt  }
0x80: {  	_ =	shalt  }
0x81: {  	_ =	shalt  }
0x82: {  	_ =	shalt  }
0x83: {  	_ =	shalt  }
0x84: {  	_ =	shalt  }
0x85: {  	_ =	shalt  }
0x86: {  	_ =	shalt  }
0x87: {  	_ =	shalt  }
.Lfunc_end0:
.L_simem_size_0:
called_computation.1_lowered:
.L_overlay_start_0:
0x88: {  	s2 =	sld [smem:$0x3FD9]  }
0x89: {  	s3 =	sld [smem:$0x3FFE];
	_ =	sdelay $0x1  }
0x8a: {  	s1 =	srdreg.scid  }
0x8b: {  	s0 =	sand.u32 $0x1, s1  }
0x8c: {  	s16 =	sshll.u32 s0, $0xA;
	s2 =	sadd.s32 s3, s2  }
0x8d: {  	s2 =	sadd.s32 s2, s16  }
0x8e: {  	[smem:$0x3FBD] =	sst s2  }
0x8f: {  	_ = 	snop  }
0x90: {  	(tm) =	ssettm $0x1  }
0x91: {  	s17 =	sld [smem:$0x3FFB];
	_ =	sdelay $0x3  }
0x92: {  	_ =	strace s17  }
0x93: {  	s2 =	sld [smem:$0x3FFC];
	_ =	sdelay $0x3  }
0x94: {  	_ =	strace s2  }
0x95: {  	s2 =	sld [smem:$0x3FFD];
	_ =	sdelay $0x3  }
0x96: {  	_ =	strace s2  }
0x97: {  	_ =	strace $0x8FFFFFFF  }
0x98: {  	s18 =	sld [smem:$0x3FDB];
	_ =	sdelay $0x1  }
0x99: {  	s19 =	simm.s32 $_scs_section_size  }
0x9a: {  	s4 =	simm.s32 $_size__tile_overlayer_lowered;
	s5 =	simm.s32 $_tile_overlayer_lowered  }
0x9b: {  	s22 =	simm.s32 $0x1BFF;
	s21 =	sshll.u32 s5, $0x1;
	s2 =	sadd.s32 s19, s18  }
0x9c: {  	s6 =	simm.s32 $0x0;
	s20 =	sshll.u32 s4, $0x1;
	s4 =	sadd.s32 s21, s2  }
0x9d: {  	[timem:s6], [sflag:s22] =	dma.local [hbm:s4], s20  }
0x9e: {  	_ =	swait.ge [sflag:s22], s20  }
0x9f: {  	s3 =	ssub.s32 $0x0, s20;
	[sflag:s22] =	ssyncset.done $0x0  }
0xa0: {  	[sflag:s22] =	ssyncadd.s32 s3;
	_ =	sdelay $0x1  }
0xa1: {  	s23 =	simm.s32 $0x1B8B  }
0xa2: {  	_ =	swait.ge [sflag:s23], $0x1  }
0xa3: {  	[sflag:s23] =	ssyncset.done $0x0  }
0xa4: {  	s25 =	simm.s32 $0x1B8E;
	s24 =	sld [smem:$0x3FFE];
	[sflag:s23] =	ssyncadd.s32 $0xFFFFFFFF  }
0xa5: {  	s26 =	simm.s32 $execute0_lowered;
	[smem:$0x3FD2] =	sst s25  }
0xa6: {  	s4 =	sshll.u32 s26, $0x1;
	_ =	strace $0x80000049;
	[dreg:$0x1] =	wrdreg $0xFFFFFFFF  }
0xa7: {  	s28 =	simm.s32 $_size_execute0_lowered;
	s2 =	sadd.s32 s2, s4;
	[dreg:$0x0] =	wrdreg $0x0  }
0xa8: {  	s4 =	sshll.u32 s28, $0x1;
	[dreg:$0x2] =	wrdreg s2  }
0xa9: {  	[dreg:$0x3] =	wrdreg s4  }
0xaa: {  	[dreg:$0x4] =	wrdreg $0xC0  }
0xab: {  	_ =	task [dreg:s6], $0x5FFFF  }
0xac: {  	[dreg:$0x1] =	wrdreg $0xFFFFFFFF  }
0xad: {  	[dreg:$0x0] =	wrdreg $0x60  }
0xae: {  	[dreg:$0x2] =	wrdreg s24  }
0xaf: {  	[dreg:$0x3] =	wrdreg $0x41000  }
0xb0: {  	[dreg:$0x4] =	wrdreg $0x9  }
0xb1: {  	_ =	task.clear_ibuf [dreg:s6], $0x5FFFF;
	_ =	strace $0x90000049  }
0xb2: {  	s29 =	simm.s32 $0x9;
	_ =	strace $0x8000004B  }
0xb3: {  	_ =	swait.ge [sflag:s29], $0x1  }
0xb4: {  	[sflag:s29] =	ssyncadd.s32 $0xFFFFFFFF  }
0xb5: {  	_ =	strace $0x9000004B  }
0xb6: {  	_ =	sfence  }
0xb7: {  	s30 =	sld [smem:$0x0];
	_ =	sdelay $0x2  }
0xb8: {  	s31 =	sshll.u32 s1, $0xD;
	s1 =	sshrl.u32 s1, $0x2  }
0xb9: {  	s3 =	sand.u32 $0x4000, s31;
	s1 =	sadd.s32 s1, s30  }
0xba: {  	s0 =	sor.u32 s3, s0;
	s1 =	sshll.u32 s1, $0x11  }
0xbb: {  	s0 =	sor.u32 s1, s0  }
0xbc: {  	s0 =	sadd.s32 $0x8F2B, s0  }
0xbd: {  	[sflag:s0] =	ssyncadd.remote.s32 $0x1  }
0xbe: {  	_ =	sfence.sel $0xFFFF  }
0xbf: {  	[dreg:$0x0] =	wrdreg $0xFFFFFFFF;
	(pc) =	sbr.abs _section_cstart, $3  }
0xc0: {  	[dreg:$0x1] =	wrdreg $0xFFFFFFFF  }
0xc1: {  	_ =	task.clear_ibuf [dreg:s6], $0x2FFFF;
	_ =	strace $0x9FFFFFFF  }
0xc2: {  	(tm) =	ssettm $0x7FFFFFFF  }
0xc3: {  	_ =	shalt  }
tec
execute0_lowered:
.L_overlay_start_1:
0x0: {  	(tag) =	ssettag $0x1  }
0x1: {  	s5 =	rddreg [dreg:$0x0]  }
0x2: {  	s2 =	rddreg [dreg:$0x1]  }
0x3: {  	s0 =	rddreg [dreg:$0x2]  }
0x4: {  	s4 =	srdreg.scid;
	s1 =	stileid.u32;
	s3 =	simm.s32 $0x0  }
0x5: {  	s13 =	simm.s32 $0x80;
	s14 =	simm.s32 $0x100;
	s7 =	smul.u32 $0x13C00, s1  }
0x6: {  	s15 =	simm.s32 $0x1;
	s16 =	simm.s32 $0x0;
	s11 =	smul.u32 $0x4F000, s1  }
0x7: {  	s6 =	sand.u32 $0x1, s4;
	[smem:$0x7FF] =	sst s3;
	s30 =	smul.u32 $0x4F0, s1  }
0x8: {  	s4 =	sadd.s32 $0xCE00, s5;
	s31 =	sshll.u32 s1, $0x6;
	s8 =	smul.u32 $0x13C000, s6  }
0x9: {  	_ =	strace $0x8000004A;
	s9 =	smul.u32 $0x4F00, s6;
	s6 =	ssub.s32 $0x2, s6  }
0xa: {  	s10 =	sshrl.u32 s6, $0x1;
	s28 =	sshrl.u32 s11, $0x2;
	s29 =	sshrl.u32 s7, $0x3  }
0xb: {  	s8 =	sadd.s32 s7, s8;
	s9 =	sadd.s32 s9, s5;
	s10 =	ssub.s32 s6, s10  }
0xc: {  	s12 =	sadd.s32 s28, s2;
	s6 =	sor.u32 $0x1C02, s31;
	s8 =	sshrl.u32 s8, $0x3  }
0xd: {  	s11 =	sadd.s32 s30, s9;
	s8 =	sadd.s32 s8, s5;
	s5 =	sadd.s32 s4, s29  }
0xe: {  	s9 =	sadd.s32 $0x3000, s11;
	s7 =	sadd.s32 $0x68C00, s8;
	s8 =	smax.u32 s10, $0x1  }
0xf: {  	s10 =	sadd.s32 $0x5EE00, s11;
	s11 =	sshrl.u32 s12, $0x3;
	s12 =	simm.s32 $0x2  }
.LBB2_1:
0x10: {  	[spmem:s11], [sflag:s6] =	dma.local [hbm:s5], $0x2780  }
0x11: {  	_ =	swait.ge [sflag:s12], $0x2780  }
0x12: {  	[sflag:s12] =	ssyncset.done $0x0  }
0x13: {  	[sflag:s12] =	ssyncadd.s32 $0xFFFFD880  }
0x14: {  	s17 =	sadd.s32 $0x0, s10;
	[bflag:$0x0] =	sbarrier.arrive $0xFFFF  }
0x15: {  	[tilespmem:s3], [sflag:$0x2] =	stream.linear.gather [hbm4b:s17+s3], $0x80, $0x38;
	[tilespmem:$0x17D00] =	vst v63  }
0x16: {  	_ =	swait.ge [sflag:s12], $0x80  }
0x17: {  	[sflag:s12] =	ssyncset.done $0x0  }
0x18: {  	s31 =	sadd.s32 $0x0, s9;
	[sflag:s12] =	ssyncadd.s32 $0xFFFFFF80  }
0x19: {  	[tilespmem:s13], [sflag:$0x2] =	stream.linear.gather [hbm4b:s31+s3], $0x80, $0x38;
	[tilespmem:$0x17D00] =	vst v63  }
0x1a: {  	_ =	swait.ge [sflag:s12], $0x80  }
0x1b: {  	[sflag:s12] =	ssyncset.done $0x0  }
0x1c: {  	[sflag:s12] =	ssyncadd.s32 $0xFFFFFF80  }
0x1d: {  	[tilespmem:s14], [sflag:$0x1] =	stream.indirect.gather [hbm4b:s4+s13], $0x80, s3, s13, $0xb8;
	[tilespmem:$0x17D00] =	vst v63  }
0x1e: {  	_ =	swait.ge [sflag:s15], $0x4000  }
0x1f: {  	[sflag:s15] =	ssyncset.done $0x0  }
0x20: {  	[sflag:s15] =	ssyncadd.s32 $0xFFFFC000  }
0x21: {  	[spmem:s2] =	stream.indirect.scatter.add.f32 [tilespmem:s14], [sflag:$0x2], $0x80, s13, s13, $0xb8;
	[tilespmem:$0x17D00] =	vst v63  }
0x22: {  	_ =	swait.ge [sflag:s12], $0x4000  }
0x23: {  	s18 =	simm.s32 $0x20;
	s17 =	simm.s32 $0x10;
	[sflag:s12] =	ssyncset.done $0x0  }
.LBB2_2:
0x24: {  	s19 =	sadd.s32 s17, s10  }
0x25: {  	[sflag:s12] =	ssyncadd.s32 $0xFFFFC000;
	s20 =	smov.u32 s18;
	s21 =	sadd.s32 $0x10, s18  }
0x26: {  	[tilespmem:s3], [sflag:$0x2] =	stream.linear.gather [hbm4b:s19+s3], $0x80, $0x38;
	[tilespmem:$0x17D00] =	vst v63  }
0x27: {  	p0 =	sne.s32 s18, $0x4E0;
	_ =	swait.ge [sflag:s12], $0x80  }
0x28: {  	[sflag:s12] =	ssyncset.done $0x0  }
0x29: {  	s18 =	sadd.s32 s17, s9;
	s17 =	smov.u32 s20;
	[sflag:s12] =	ssyncadd.s32 $0xFFFFFF80  }
0x2a: {  	[tilespmem:s13], [sflag:$0x2] =	stream.linear.gather [hbm4b:s18+s3], $0x80, $0x38;
	[tilespmem:$0x17D00] =	vst v63  }
0x2b: {  	_ =	swait.ge [sflag:s12], $0x80  }
0x2c: {  	[sflag:s12] =	ssyncset.done $0x0  }
0x2d: {  	[sflag:s12] =	ssyncadd.s32 $0xFFFFFF80  }
0x2e: {  	[tilespmem:s14], [sflag:$0x1] =	stream.indirect.gather [hbm4b:s4+s13], $0x80, s3, s13, $0xb8;
	[tilespmem:$0x17D00] =	vst v63  }
0x2f: {  	_ =	swait.ge [sflag:s15], $0x4000  }
.Ltmp0:
0x30: {  	[sflag:s15] =	ssyncset.done $0x0;
	(pc) =	sbr.rel @p0 .LBB2_2-.Ltmp0, $4  }
0x31: {  	[sflag:s15] =	ssyncadd.s32 $0xFFFFC000  }
0x32: {  	[spmem:s2] =	stream.indirect.scatter.add.f32 [tilespmem:s14], [sflag:$0x2], $0x80, s13, s13, $0xb8;
	[tilespmem:$0x17D00] =	vst v63  }
0x33: {  	_ =	swait.ge [sflag:s12], $0x4000  }
0x34: {  	s18 =	smov.u32 s21;
	[sflag:s12] =	ssyncset.done $0x0  }
0x35: {  	s18 =	sadd.s32 s17, s10;
	[sflag:s12] =	ssyncadd.s32 $0xFFFFC000  }
0x36: {  	[tilespmem:s3], [sflag:$0x2] =	stream.linear.gather [hbm4b:s18+s3], $0x80, $0x38;
	[tilespmem:$0x17D00] =	vst v63  }
0x37: {  	_ =	swait.ge [sflag:s12], $0x80  }
0x38: {  	[sflag:s12] =	ssyncset.done $0x0  }
0x39: {  	s31 =	sadd.s32 s17, s9;
	[sflag:s12] =	ssyncadd.s32 $0xFFFFFF80  }
0x3a: {  	[tilespmem:s13], [sflag:$0x2] =	stream.linear.gather [hbm4b:s31+s3], $0x80, $0x38;
	[tilespmem:$0x17D00] =	vst v63  }
0x3b: {  	_ =	swait.ge [sflag:s12], $0x80  }
0x3c: {  	[sflag:s12] =	ssyncset.done $0x0  }
0x3d: {  	[sflag:s12] =	ssyncadd.s32 $0xFFFFFF80  }
0x3e: {  	[tilespmem:s14], [sflag:$0x1] =	stream.indirect.gather [hbm4b:s4+s13], $0x80, s3, s13, $0xb8;
	[tilespmem:$0x17D00] =	vst v63  }
0x3f: {  	_ =	swait.ge [sflag:s15], $0x4000  }
0x40: {  	[sflag:s15] =	ssyncset.done $0x0  }
0x41: {  	[sflag:s15] =	ssyncadd.s32 $0xFFFFC000  }
0x42: {  	[spmem:s2] =	stream.indirect.scatter.add.f32 [tilespmem:s14], [sflag:$0x2], $0x80, s13, s13, $0xb8;
	[tilespmem:$0x17D00] =	vst v63  }
0x43: {  	_ =	swait.ge [sflag:s12], $0x4000  }
0x44: {  	s16 =	sadd.s32 $0x1, s16;
	[sflag:s12] =	ssyncset.done $0x0  }
0x45: {  	p0 =	sne.s32 s16, s8;
	[sflag:s12] =	ssyncadd.s32 $0xFFFFC000  }
.Ltmp1:
0x46: {  	[bflag:$0x0] =	sbarrier.arrive $0xFFFF;
	(pc) =	sbr.rel @p0 .LBB2_1-.Ltmp1, $4  }
0x47: {  	[hbm:s7], [sflag:s6] =	dma.local [spmem:s11], $0x2780  }
0x48: {  	_ =	swait.ge [sflag:s12], $0x2780  }
0x49: {  	[sflag:s12] =	ssyncset.done $0x0  }
0x4a: {  	[sflag:s12] =	ssyncadd.s32 $0xFFFFD880  }
0x4b: {  	_ =	sfence.sel $0x180000  }
0x4c: {  	[bflag:$0x0] =	sbarrier.arrive $0xFFFF  }
0x4d: {  	p0 =	sne.s32 s1, $0x0;
	_ =	strace $0x9000004A  }
0x4e: {  	s0 =	sadd.s32 @!p0 $0x100000, s0;
	[bflag:$0x2] =	sbarrier.arrive $0xFFFF  }
0x4f: {  	[sflag:s0] =	ssyncadd.tile.s32 @!p0 $0x1;
	_ =	shalt  }
.Lfunc_end2:
_tile_overlayer_lowered:
.L_overlay_start_2:
0x50: {  	(tag) =	ssettag $0x2  }
0x51: {  	s0 =	rddreg [dreg:$0x0];
	s2 =	stileid.u32  }
0x52: {  	s1 =	rddreg [dreg:$0x1];
	p0 =	sne.s32 s2, $0x0  }
0x53: {  	s3 =	rddreg [dreg:$0x2];
	[bflag:$0x3] =	sbarrier.arrive $0xFFFF;
	s2 =	simm.s32 @!p0 $0x1C02  }
0x54: {  	[timem:s3], [sflag:s2] =	dma.local @!p0 [hbm:s0], s1  }
0x55: {  	s0 =	simm.s32 @!p0 $0x2  }
0x56: {  	_ =	swait.ge @!p0 [sflag:s0], s1  }
0x57: {  	s1 =	ssub.s32 @!p0 $0x0, s1;
	[sflag:s0] =	ssyncset.done @!p0 $0x0  }
0x58: {  	[sflag:s0] =	ssyncadd.s32 @!p0 s1  }
0x59: {  	[bflag:$0x3] =	sbarrier.arrive $0xFFFF  }
0x5a: {  	_ =	shalt  }

// kernel: kernel.16.cloned.1.call-start
scs
__scs_entry_jumppad:
0x0: {  	(pc) =	sbr.rel $0x88, $3  }
0x1: {  	(tag) =	ssettag $0x0;
	lr =	simm.s32 $0x1  }
0x2: {  	[smem:$0x3F96] =	sst lr;
	_ =	strace $0xD0000000  }
0x3: {  	_ = 	snop  }
0x4: {  	_ = 	snop  }
0x5: {  	_ = 	snop  }
0x6: {  	_ = 	snop  }
0x7: {  	_ = 	snop  }
__scs_overlays_trampoline_lowered:
0x8: {  	[smem:$0x3FA5] =	sst s0  }
0x9: {  	[smem:$0x3FA6] =	sst s1  }
0xa: {  	[smem:$0x3FA7] =	sst s2  }
0xb: {  	[smem:$0x3FA8] =	sst s3  }
0xc: {  	[smem:$0x3FA9] =	sst s4  }
0xd: {  	[smem:$0x3FAA] =	sst s5  }
0xe: {  	[smem:$0x3FAB] =	sst s6  }
0xf: {  	[smem:$0x3FAC] =	sst s7  }
0x10: {  	[smem:$0x3FAD] =	sst s8  }
0x11: {  	[smem:$0x3FAE] =	sst s9;
	s0 =	simm.s32 @!p0 $0x0  }
0x12: {  	s1 =	sld [smem:$0x3F94];
	s0 =	simm.s32 @p0 $0x1  }
0x13: {  	[smem:$0x3FAF] =	sst s0;
	s0 =	simm.s32 @!p1 $0x0  }
0x14: {  	s2 =	sld [smem:$0x3F93];
	s0 =	simm.s32 @p1 $0x1  }
0x15: {  	[smem:$0x3FB0] =	sst s0;
	s0 =	simm.s32 @!p2 $0x0  }
0x16: {  	s3 =	sld [smem:$0x3FDB];
	s0 =	simm.s32 @p2 $0x1  }
0x17: {  	s4 =	simm.s32 $0x1BF5;
	[smem:$0x3FB2] =	sst s0  }
0x18: {  	s0 =	sld [smem:$0x3F95];
	_ =	swait.ge [sflag:s4], $0x0  }
0x19: {  	s7 =	sld [smem:$0x3F96]  }
0x1a: {  	s8 =	sadd.s32 $0xFFFFE003, lr  }
0x1b: {  	s9 =	sadd.s32 $0xFFFFFEF7, lr;
	s5 =	simm.s32 $0xFFFFFFFF;
	p2 =	slt.u32 s8, $0xFFFFF086  }
0x1c: {  	p1 =	slt.u32 s9, $0xF7A;
	s5 =	simm.s32 @!p2 $0x0  }
0x1d: {  	s5 =	simm.s32 @p1 $0x1;
	p0 =	seq.s32 s7, s2  }
0x1e: {  	s7 =	smul.u32 @!p0 $0xF7A, s2;
	p2 =	seq.s32 @!p0 s5, $0x0  }
0x1f: {  	s9 =	smul.u32 $0xF7A, s1;
	s8 =	simm.s32 @!p0 $0x1BF5;
	p2 =	por !p2, p0  }
0x20: {  	[sflag:s8] =	ssyncset.s32 @!p0 $0xFFFFF086;
	s6 =	sadd.s32 @!p0 s3, s7;
	s7 =	simm.s32 @!p0 $0x108  }
0x21: {  	s3 =	sadd.s32 s3, s9;
	s6 =	sadd.s32 @!p0 $0x88, s6;
	s7 =	simm.s32 @p2 $0x1082  }
0x22: {  	[simem:s7], [sflag:s8] =	dma.local @!p0 [hbm:s6], $0xF7A  }
0x23: {  	s9 =	sor.u32 $0xD0000000, s2;
	s6 =	simm.s32 $0x108;
	_ =	swait.ge @!p0 [sflag:s8], $0x0  }
0x24: {  	s3 =	sadd.s32 $0x88, s3;
	s6 =	simm.s32 @!p1 $0x1082;
	[sflag:s4] =	ssyncset.s32 $0xFFFFF086  }
0x25: {  	[simem:s6], [sflag:s4] =	dma.local [hbm:s3], $0xF7A  }
0x26: {  	[smem:$0x3F96] =	sst s1;
	(tag) =	ssettag s2;
	_ =	strace s9  }
0x27: {  	s1 =	sld [smem:$0x3FA6]  }
0x28: {  	s2 =	sld [smem:$0x3FA7]  }
0x29: {  	s4 =	sld [smem:$0x3FA9]  }
0x2a: {  	p0 =	seq.s32 s5, $0x0;
	s5 =	sld [smem:$0x3FAA]  }
0x2b: {  	s6 =	sld [smem:$0x3FAB]  }
0x2c: {  	s7 =	sld [smem:$0x3FAC]  }
0x2d: {  	s3 =	simm.s32 $0x108;
	s8 =	sld [smem:$0x3FAD]  }
0x2e: {  	s3 =	simm.s32 @!p0 $0x1082;
	s9 =	sld [smem:$0x3FAE]  }
0x2f: {  	lr =	sadd.s32 s0, s3;
	s0 =	sld [smem:$0x3FA5]  }
0x30: {  	s3 =	sld [smem:$0x3FA8]  }
0x31: {  	[smem:$0x3FB1] =	sst s10  }
0x32: {  	s10 =	sld [smem:$0x3FAF];
	_ =	sdelay $0x3  }
0x33: {  	p0 =	seq.s32 s10, $0x1;
	s10 =	sld [smem:$0x3FB1];
	_ =	sdelay $0x3  }
0x34: {  	[smem:$0x3FB1] =	sst s10  }
0x35: {  	s10 =	sld [smem:$0x3FB0];
	_ =	sdelay $0x3  }
0x36: {  	p1 =	seq.s32 s10, $0x1;
	s10 =	sld [smem:$0x3FB1];
	_ =	sdelay $0x3  }
0x37: {  	[smem:$0x3FB1] =	sst s10  }
0x38: {  	s10 =	sld [smem:$0x3FB2]  }
0x39: {  	_ = 	snop;
	(pc) =	sbr.ind lr, $3  }
0x3a: {  	_ = 	snop  }
0x3b: {  	_ = 	snop  }
0x3c: {  	p2 =	seq.s32 s10, $0x1;
	s10 =	sld [smem:$0x3FB1]  }
0x3d: {  	_ =	shalt  }
0x3e: {  	_ =	shalt  }
0x3f: {  	_ =	shalt  }
0x40: {  	_ =	shalt  }
0x41: {  	_ =	shalt  }
0x42: {  	_ =	shalt  }
0x43: {  	_ =	shalt  }
0x44: {  	_ =	shalt  }
0x45: {  	_ =	shalt  }
0x46: {  	_ =	shalt  }
0x47: {  	_ =	shalt  }
0x48: {  	_ =	shalt  }
0x49: {  	_ =	shalt  }
0x4a: {  	_ =	shalt  }
0x4b: {  	_ =	shalt  }
0x4c: {  	_ =	shalt  }
0x4d: {  	_ =	shalt  }
0x4e: {  	_ =	shalt  }
0x4f: {  	_ =	shalt  }
0x50: {  	_ =	shalt  }
0x51: {  	_ =	shalt  }
0x52: {  	_ =	shalt  }
0x53: {  	_ =	shalt  }
0x54: {  	_ =	shalt  }
0x55: {  	_ =	shalt  }
0x56: {  	_ =	shalt  }
0x57: {  	_ =	shalt  }
0x58: {  	_ =	shalt  }
0x59: {  	_ =	shalt  }
0x5a: {  	_ =	shalt  }
0x5b: {  	_ =	shalt  }
0x5c: {  	_ =	shalt  }
0x5d: {  	_ =	shalt  }
0x5e: {  	_ =	shalt  }
0x5f: {  	_ =	shalt  }
0x60: {  	_ =	shalt  }
0x61: {  	_ =	shalt  }
0x62: {  	_ =	shalt  }
0x63: {  	_ =	shalt  }
0x64: {  	_ =	shalt  }
0x65: {  	_ =	shalt  }
0x66: {  	_ =	shalt  }
0x67: {  	_ =	shalt  }
0x68: {  	_ =	shalt  }
0x69: {  	_ =	shalt  }
0x6a: {  	_ =	shalt  }
0x6b: {  	_ =	shalt  }
0x6c: {  	_ =	shalt  }
0x6d: {  	_ =	shalt  }
0x6e: {  	_ =	shalt  }
0x6f: {  	_ =	shalt  }
0x70: {  	_ =	shalt  }
0x71: {  	_ =	shalt  }
0x72: {  	_ =	shalt  }
0x73: {  	_ =	shalt  }
0x74: {  	_ =	shalt  }
0x75: {  	_ =	shalt  }
0x76: {  	_ =	shalt  }
0x77: {  	_ =	shalt  }
0x78: {  	_ =	shalt  }
0x79: {  	_ =	shalt  }
0x7a: {  	_ =	shalt  }
0x7b: {  	_ =	shalt  }
0x7c: {  	_ =	shalt  }
0x7d: {  	_ =	shalt  }
0x7e: {  	_ =	shalt  }
0x7f: {  	_ =	shalt  }
0x80: {  	_ =	shalt  }
0x81: {  	_ =	shalt  }
0x82: {  	_ =	shalt  }
0x83: {  	_ =	shalt  }
0x84: {  	_ =	shalt  }
0x85: {  	_ =	shalt  }
0x86: {  	_ =	shalt  }
0x87: {  	_ =	shalt  }
.Lfunc_end0:
.L_simem_size_0:
called_computation.2_lowered:
.L_overlay_start_0:
0x88: {  	s2 =	sld [smem:$0x3FD9]  }
0x89: {  	s3 =	sld [smem:$0x3FFE];
	_ =	sdelay $0x1  }
0x8a: {  	s1 =	srdreg.scid  }
0x8b: {  	s0 =	sand.u32 $0x1, s1  }
0x8c: {  	s16 =	sshll.u32 s0, $0xA;
	s2 =	sadd.s32 s3, s2  }
0x8d: {  	s2 =	sadd.s32 s2, s16  }
0x8e: {  	[smem:$0x3FBD] =	sst s2  }
0x8f: {  	_ = 	snop  }
0x90: {  	(tm) =	ssettm $0x1  }
0x91: {  	s17 =	sld [smem:$0x3FFB];
	_ =	sdelay $0x3  }
0x92: {  	_ =	strace s17  }
0x93: {  	s2 =	sld [smem:$0x3FFC];
	_ =	sdelay $0x3  }
0x94: {  	_ =	strace s2  }
0x95: {  	s2 =	sld [smem:$0x3FFD];
	_ =	sdelay $0x3  }
0x96: {  	_ =	strace s2  }
0x97: {  	_ =	strace $0x8FFFFFFF  }
0x98: {  	s18 =	sld [smem:$0x3FDB];
	_ =	sdelay $0x1  }
0x99: {  	s19 =	simm.s32 $_scs_section_size  }
0x9a: {  	s4 =	simm.s32 $_size__tile_overlayer_lowered;
	s5 =	simm.s32 $_tile_overlayer_lowered  }
0x9b: {  	s22 =	simm.s32 $0x1BFF;
	s21 =	sshll.u32 s5, $0x1;
	s2 =	sadd.s32 s19, s18  }
0x9c: {  	s6 =	simm.s32 $0x0;
	s20 =	sshll.u32 s4, $0x1;
	s4 =	sadd.s32 s21, s2  }
0x9d: {  	[timem:s6], [sflag:s22] =	dma.local [hbm:s4], s20  }
0x9e: {  	_ =	swait.ge [sflag:s22], s20  }
0x9f: {  	s3 =	ssub.s32 $0x0, s20;
	[sflag:s22] =	ssyncset.done $0x0  }
0xa0: {  	[sflag:s22] =	ssyncadd.s32 s3;
	_ =	sdelay $0x1  }
0xa1: {  	s23 =	simm.s32 $0x1B8B  }
0xa2: {  	_ =	swait.ge [sflag:s23], $0x1  }
0xa3: {  	[sflag:s23] =	ssyncset.done $0x0  }
0xa4: {  	s25 =	simm.s32 $0x1B8E;
	s24 =	sld [smem:$0x3FFE];
	[sflag:s23] =	ssyncadd.s32 $0xFFFFFFFF  }
0xa5: {  	s26 =	simm.s32 $execute0_lowered;
	[smem:$0x3FD2] =	sst s25  }
0xa6: {  	s4 =	sshll.u32 s26, $0x1;
	_ =	strace $0x8000004C;
	[dreg:$0x1] =	wrdreg $0xFFFFFFFF  }
0xa7: {  	s28 =	simm.s32 $_size_execute0_lowered;
	s2 =	sadd.s32 s2, s4;
	[dreg:$0x0] =	wrdreg $0x0  }
0xa8: {  	s4 =	sshll.u32 s28, $0x1;
	[dreg:$0x2] =	wrdreg s2  }
0xa9: {  	[dreg:$0x3] =	wrdreg s4  }
0xaa: {  	[dreg:$0x4] =	wrdreg $0xC0  }
0xab: {  	_ =	task [dreg:s6], $0x5FFFF  }
0xac: {  	[dreg:$0x1] =	wrdreg $0xFFFFFFFF  }
0xad: {  	[dreg:$0x0] =	wrdreg $0x60  }
0xae: {  	[dreg:$0x2] =	wrdreg s24  }
0xaf: {  	[dreg:$0x3] =	wrdreg $0x41000  }
0xb0: {  	[dreg:$0x4] =	wrdreg $0x9  }
0xb1: {  	_ =	task.clear_ibuf [dreg:s6], $0x5FFFF;
	_ =	strace $0x9000004C  }
0xb2: {  	s29 =	simm.s32 $0x9;
	_ =	strace $0x8000004E  }
0xb3: {  	_ =	swait.ge [sflag:s29], $0x1  }
0xb4: {  	[sflag:s29] =	ssyncadd.s32 $0xFFFFFFFF  }
0xb5: {  	_ =	strace $0x9000004E  }
0xb6: {  	_ =	sfence  }
0xb7: {  	s30 =	sld [smem:$0x0];
	_ =	sdelay $0x2  }
0xb8: {  	s31 =	sshll.u32 s1, $0xD;
	s1 =	sshrl.u32 s1, $0x2  }
0xb9: {  	s3 =	sand.u32 $0x4000, s31;
	s1 =	sadd.s32 s1, s30  }
0xba: {  	s0 =	sor.u32 s3, s0;
	s1 =	sshll.u32 s1, $0x11  }
0xbb: {  	s0 =	sor.u32 s1, s0  }
0xbc: {  	s0 =	sadd.s32 $0x8F2B, s0  }
0xbd: {  	[sflag:s0] =	ssyncadd.remote.s32 $0x1  }
0xbe: {  	_ =	sfence.sel $0xFFFF  }
0xbf: {  	[dreg:$0x0] =	wrdreg $0xFFFFFFFF;
	(pc) =	sbr.abs _section_cstart, $3  }
0xc0: {  	[dreg:$0x1] =	wrdreg $0xFFFFFFFF  }
0xc1: {  	_ =	task.clear_ibuf [dreg:s6], $0x2FFFF;
	_ =	strace $0x9FFFFFFF  }
0xc2: {  	(tm) =	ssettm $0x7FFFFFFF  }
0xc3: {  	_ =	shalt  }
tec
execute0_lowered:
.L_overlay_start_1:
0x0: {  	(tag) =	ssettag $0x1  }
0x1: {  	s5 =	rddreg [dreg:$0x0]  }
0x2: {  	s2 =	rddreg [dreg:$0x1]  }
0x3: {  	s0 =	rddreg [dreg:$0x2]  }
0x4: {  	s4 =	srdreg.scid;
	s1 =	stileid.u32;
	s3 =	simm.s32 $0x0  }
0x5: {  	s13 =	simm.s32 $0x80;
	s14 =	simm.s32 $0x100;
	s7 =	smul.u32 $0x13C00, s1  }
0x6: {  	s15 =	simm.s32 $0x1;
	s16 =	simm.s32 $0x0;
	s11 =	smul.u32 $0x4F000, s1  }
0x7: {  	s6 =	sand.u32 $0x1, s4;
	[smem:$0x7FF] =	sst s3;
	s30 =	smul.u32 $0x4F0, s1  }
0x8: {  	s4 =	sadd.s32 $0xCE00, s5;
	s31 =	sshll.u32 s1, $0x6;
	s8 =	smul.u32 $0x13C000, s6  }
0x9: {  	_ =	strace $0x8000004D;
	s9 =	smul.u32 $0x4F00, s6;
	s6 =	ssub.s32 $0x2, s6  }
0xa: {  	s10 =	sshrl.u32 s6, $0x1;
	s28 =	sshrl.u32 s11, $0x2;
	s29 =	sshrl.u32 s7, $0x3  }
0xb: {  	s8 =	sadd.s32 s7, s8;
	s9 =	sadd.s32 s9, s5;
	s10 =	ssub.s32 s6, s10  }
0xc: {  	s12 =	sadd.s32 s28, s2;
	s6 =	sor.u32 $0x1C02, s31;
	s8 =	sshrl.u32 s8, $0x3  }
0xd: {  	s11 =	sadd.s32 s30, s9;
	s8 =	sadd.s32 s8, s5;
	s5 =	sadd.s32 s4, s29  }
0xe: {  	s9 =	sadd.s32 $0x3000, s11;
	s7 =	sadd.s32 $0x68C00, s8;
	s8 =	smax.u32 s10, $0x1  }
0xf: {  	s10 =	sadd.s32 $0x5EE00, s11;
	s11 =	sshrl.u32 s12, $0x3;
	s12 =	simm.s32 $0x2  }
.LBB2_1:
0x10: {  	[spmem:s11], [sflag:s6] =	dma.local [hbm:s5], $0x2780  }
0x11: {  	_ =	swait.ge [sflag:s12], $0x2780  }
0x12: {  	[sflag:s12] =	ssyncset.done $0x0  }
0x13: {  	[sflag:s12] =	ssyncadd.s32 $0xFFFFD880  }
0x14: {  	s17 =	sadd.s32 $0x0, s10;
	[bflag:$0x0] =	sbarrier.arrive $0xFFFF  }
0x15: {  	[tilespmem:s3], [sflag:$0x2] =	stream.linear.gather [hbm4b:s17+s3], $0x80, $0x38;
	[tilespmem:$0x17D00] =	vst v63  }
0x16: {  	_ =	swait.ge [sflag:s12], $0x80  }
0x17: {  	[sflag:s12] =	ssyncset.done $0x0  }
0x18: {  	s31 =	sadd.s32 $0x0, s9;
	[sflag:s12] =	ssyncadd.s32 $0xFFFFFF80  }
0x19: {  	[tilespmem:s13], [sflag:$0x2] =	stream.linear.gather [hbm4b:s31+s3], $0x80, $0x38;
	[tilespmem:$0x17D00] =	vst v63  }
0x1a: {  	_ =	swait.ge [sflag:s12], $0x80  }
0x1b: {  	[sflag:s12] =	ssyncset.done $0x0  }
0x1c: {  	[sflag:s12] =	ssyncadd.s32 $0xFFFFFF80  }
0x1d: {  	[tilespmem:s14], [sflag:$0x1] =	stream.indirect.gather [hbm4b:s4+s13], $0x80, s3, s13, $0xb8;
	[tilespmem:$0x17D00] =	vst v63  }
0x1e: {  	_ =	swait.ge [sflag:s15], $0x4000  }
0x1f: {  	[sflag:s15] =	ssyncset.done $0x0  }
0x20: {  	[sflag:s15] =	ssyncadd.s32 $0xFFFFC000  }
0x21: {  	[spmem:s2] =	stream.indirect.scatter.add.f32 [tilespmem:s14], [sflag:$0x2], $0x80, s13, s13, $0xb8;
	[tilespmem:$0x17D00] =	vst v63  }
0x22: {  	_ =	swait.ge [sflag:s12], $0x4000  }
0x23: {  	s18 =	simm.s32 $0x20;
	s17 =	simm.s32 $0x10;
	[sflag:s12] =	ssyncset.done $0x0  }
.LBB2_2:
0x24: {  	s19 =	sadd.s32 s17, s10  }
0x25: {  	[sflag:s12] =	ssyncadd.s32 $0xFFFFC000;
	s20 =	smov.u32 s18;
	s21 =	sadd.s32 $0x10, s18  }
0x26: {  	[tilespmem:s3], [sflag:$0x2] =	stream.linear.gather [hbm4b:s19+s3], $0x80, $0x38;
	[tilespmem:$0x17D00] =	vst v63  }
0x27: {  	p0 =	sne.s32 s18, $0x4E0;
	_ =	swait.ge [sflag:s12], $0x80  }
0x28: {  	[sflag:s12] =	ssyncset.done $0x0  }
0x29: {  	s18 =	sadd.s32 s17, s9;
	s17 =	smov.u32 s20;
	[sflag:s12] =	ssyncadd.s32 $0xFFFFFF80  }
0x2a: {  	[tilespmem:s13], [sflag:$0x2] =	stream.linear.gather [hbm4b:s18+s3], $0x80, $0x38;
	[tilespmem:$0x17D00] =	vst v63  }
0x2b: {  	_ =	swait.ge [sflag:s12], $0x80  }
0x2c: {  	[sflag:s12] =	ssyncset.done $0x0  }
0x2d: {  	[sflag:s12] =	ssyncadd.s32 $0xFFFFFF80  }
0x2e: {  	[tilespmem:s14], [sflag:$0x1] =	stream.indirect.gather [hbm4b:s4+s13], $0x80, s3, s13, $0xb8;
	[tilespmem:$0x17D00] =	vst v63  }
0x2f: {  	_ =	swait.ge [sflag:s15], $0x4000  }
.Ltmp0:
0x30: {  	[sflag:s15] =	ssyncset.done $0x0;
	(pc) =	sbr.rel @p0 .LBB2_2-.Ltmp0, $4  }
0x31: {  	[sflag:s15] =	ssyncadd.s32 $0xFFFFC000  }
0x32: {  	[spmem:s2] =	stream.indirect.scatter.add.f32 [tilespmem:s14], [sflag:$0x2], $0x80, s13, s13, $0xb8;
	[tilespmem:$0x17D00] =	vst v63  }
0x33: {  	_ =	swait.ge [sflag:s12], $0x4000  }
0x34: {  	s18 =	smov.u32 s21;
	[sflag:s12] =	ssyncset.done $0x0  }
0x35: {  	s18 =	sadd.s32 s17, s10;
	[sflag:s12] =	ssyncadd.s32 $0xFFFFC000  }
0x36: {  	[tilespmem:s3], [sflag:$0x2] =	stream.linear.gather [hbm4b:s18+s3], $0x80, $0x38;
	[tilespmem:$0x17D00] =	vst v63  }
0x37: {  	_ =	swait.ge [sflag:s12], $0x80  }
0x38: {  	[sflag:s12] =	ssyncset.done $0x0  }
0x39: {  	s31 =	sadd.s32 s17, s9;
	[sflag:s12] =	ssyncadd.s32 $0xFFFFFF80  }
0x3a: {  	[tilespmem:s13], [sflag:$0x2] =	stream.linear.gather [hbm4b:s31+s3], $0x80, $0x38;
	[tilespmem:$0x17D00] =	vst v63  }
0x3b: {  	_ =	swait.ge [sflag:s12], $0x80  }
0x3c: {  	[sflag:s12] =	ssyncset.done $0x0  }
0x3d: {  	[sflag:s12] =	ssyncadd.s32 $0xFFFFFF80  }
0x3e: {  	[tilespmem:s14], [sflag:$0x1] =	stream.indirect.gather [hbm4b:s4+s13], $0x80, s3, s13, $0xb8;
	[tilespmem:$0x17D00] =	vst v63  }
0x3f: {  	_ =	swait.ge [sflag:s15], $0x4000  }
0x40: {  	[sflag:s15] =	ssyncset.done $0x0  }
0x41: {  	[sflag:s15] =	ssyncadd.s32 $0xFFFFC000  }
0x42: {  	[spmem:s2] =	stream.indirect.scatter.add.f32 [tilespmem:s14], [sflag:$0x2], $0x80, s13, s13, $0xb8;
	[tilespmem:$0x17D00] =	vst v63  }
0x43: {  	_ =	swait.ge [sflag:s12], $0x4000  }
0x44: {  	s16 =	sadd.s32 $0x1, s16;
	[sflag:s12] =	ssyncset.done $0x0  }
0x45: {  	p0 =	sne.s32 s16, s8;
	[sflag:s12] =	ssyncadd.s32 $0xFFFFC000  }
.Ltmp1:
0x46: {  	[bflag:$0x0] =	sbarrier.arrive $0xFFFF;
	(pc) =	sbr.rel @p0 .LBB2_1-.Ltmp1, $4  }
0x47: {  	[hbm:s7], [sflag:s6] =	dma.local [spmem:s11], $0x2780  }
0x48: {  	_ =	swait.ge [sflag:s12], $0x2780  }
0x49: {  	[sflag:s12] =	ssyncset.done $0x0  }
0x4a: {  	[sflag:s12] =	ssyncadd.s32 $0xFFFFD880  }
0x4b: {  	_ =	sfence.sel $0x180000  }
0x4c: {  	[bflag:$0x0] =	sbarrier.arrive $0xFFFF  }
0x4d: {  	p0 =	sne.s32 s1, $0x0;
	_ =	strace $0x9000004D  }
0x4e: {  	s0 =	sadd.s32 @!p0 $0x100000, s0;
	[bflag:$0x2] =	sbarrier.arrive $0xFFFF  }
0x4f: {  	[sflag:s0] =	ssyncadd.tile.s32 @!p0 $0x1;
	_ =	shalt  }
.Lfunc_end2:
_tile_overlayer_lowered:
.L_overlay_start_2:
0x50: {  	(tag) =	ssettag $0x2  }
0x51: {  	s0 =	rddreg [dreg:$0x0];
	s2 =	stileid.u32  }
0x52: {  	s1 =	rddreg [dreg:$0x1];
	p0 =	sne.s32 s2, $0x0  }
0x53: {  	s3 =	rddreg [dreg:$0x2];
	[bflag:$0x3] =	sbarrier.arrive $0xFFFF;
	s2 =	simm.s32 @!p0 $0x1C02  }
0x54: {  	[timem:s3], [sflag:s2] =	dma.local @!p0 [hbm:s0], s1  }
0x55: {  	s0 =	simm.s32 @!p0 $0x2  }
0x56: {  	_ =	swait.ge @!p0 [sflag:s0], s1  }
0x57: {  	s1 =	ssub.s32 @!p0 $0x0, s1;
	[sflag:s0] =	ssyncset.done @!p0 $0x0  }
0x58: {  	[sflag:s0] =	ssyncadd.s32 @!p0 s1  }
0x59: {  	[bflag:$0x3] =	sbarrier.arrive $0xFFFF  }
0x5a: {  	_ =	shalt  }

// kernel: kernel.19.cloned.1.call-start
scs
__scs_entry_jumppad:
0x0: {  	(pc) =	sbr.rel $0x88, $3  }
0x1: {  	(tag) =	ssettag $0x0;
	lr =	simm.s32 $0x1  }
0x2: {  	[smem:$0x3F96] =	sst lr;
	_ =	strace $0xD0000000  }
0x3: {  	_ = 	snop  }
0x4: {  	_ = 	snop  }
0x5: {  	_ = 	snop  }
0x6: {  	_ = 	snop  }
0x7: {  	_ = 	snop  }
__scs_overlays_trampoline_lowered:
0x8: {  	[smem:$0x3FA5] =	sst s0  }
0x9: {  	[smem:$0x3FA6] =	sst s1  }
0xa: {  	[smem:$0x3FA7] =	sst s2  }
0xb: {  	[smem:$0x3FA8] =	sst s3  }
0xc: {  	[smem:$0x3FA9] =	sst s4  }
0xd: {  	[smem:$0x3FAA] =	sst s5  }
0xe: {  	[smem:$0x3FAB] =	sst s6  }
0xf: {  	[smem:$0x3FAC] =	sst s7  }
0x10: {  	[smem:$0x3FAD] =	sst s8  }
0x11: {  	[smem:$0x3FAE] =	sst s9;
	s0 =	simm.s32 @!p0 $0x0  }
0x12: {  	s1 =	sld [smem:$0x3F94];
	s0 =	simm.s32 @p0 $0x1  }
0x13: {  	[smem:$0x3FAF] =	sst s0;
	s0 =	simm.s32 @!p1 $0x0  }
0x14: {  	s2 =	sld [smem:$0x3F93];
	s0 =	simm.s32 @p1 $0x1  }
0x15: {  	[smem:$0x3FB0] =	sst s0;
	s0 =	simm.s32 @!p2 $0x0  }
0x16: {  	s3 =	sld [smem:$0x3FDB];
	s0 =	simm.s32 @p2 $0x1  }
0x17: {  	s4 =	simm.s32 $0x1BF5;
	[smem:$0x3FB2] =	sst s0  }
0x18: {  	s0 =	sld [smem:$0x3F95];
	_ =	swait.ge [sflag:s4], $0x0  }
0x19: {  	s7 =	sld [smem:$0x3F96]  }
0x1a: {  	s8 =	sadd.s32 $0xFFFFE003, lr  }
0x1b: {  	s9 =	sadd.s32 $0xFFFFFEF7, lr;
	s5 =	simm.s32 $0xFFFFFFFF;
	p2 =	slt.u32 s8, $0xFFFFF086  }
0x1c: {  	p1 =	slt.u32 s9, $0xF7A;
	s5 =	simm.s32 @!p2 $0x0  }
0x1d: {  	s5 =	simm.s32 @p1 $0x1;
	p0 =	seq.s32 s7, s2  }
0x1e: {  	s7 =	smul.u32 @!p0 $0xF7A, s2;
	p2 =	seq.s32 @!p0 s5, $0x0  }
0x1f: {  	s9 =	smul.u32 $0xF7A, s1;
	s8 =	simm.s32 @!p0 $0x1BF5;
	p2 =	por !p2, p0  }
0x20: {  	[sflag:s8] =	ssyncset.s32 @!p0 $0xFFFFF086;
	s6 =	sadd.s32 @!p0 s3, s7;
	s7 =	simm.s32 @!p0 $0x108  }
0x21: {  	s3 =	sadd.s32 s3, s9;
	s6 =	sadd.s32 @!p0 $0x88, s6;
	s7 =	simm.s32 @p2 $0x1082  }
0x22: {  	[simem:s7], [sflag:s8] =	dma.local @!p0 [hbm:s6], $0xF7A  }
0x23: {  	s9 =	sor.u32 $0xD0000000, s2;
	s6 =	simm.s32 $0x108;
	_ =	swait.ge @!p0 [sflag:s8], $0x0  }
0x24: {  	s3 =	sadd.s32 $0x88, s3;
	s6 =	simm.s32 @!p1 $0x1082;
	[sflag:s4] =	ssyncset.s32 $0xFFFFF086  }
0x25: {  	[simem:s6], [sflag:s4] =	dma.local [hbm:s3], $0xF7A  }
0x26: {  	[smem:$0x3F96] =	sst s1;
	(tag) =	ssettag s2;
	_ =	strace s9  }
0x27: {  	s1 =	sld [smem:$0x3FA6]  }
0x28: {  	s2 =	sld [smem:$0x3FA7]  }
0x29: {  	s4 =	sld [smem:$0x3FA9]  }
0x2a: {  	p0 =	seq.s32 s5, $0x0;
	s5 =	sld [smem:$0x3FAA]  }
0x2b: {  	s6 =	sld [smem:$0x3FAB]  }
0x2c: {  	s7 =	sld [smem:$0x3FAC]  }
0x2d: {  	s3 =	simm.s32 $0x108;
	s8 =	sld [smem:$0x3FAD]  }
0x2e: {  	s3 =	simm.s32 @!p0 $0x1082;
	s9 =	sld [smem:$0x3FAE]  }
0x2f: {  	lr =	sadd.s32 s0, s3;
	s0 =	sld [smem:$0x3FA5]  }
0x30: {  	s3 =	sld [smem:$0x3FA8]  }
0x31: {  	[smem:$0x3FB1] =	sst s10  }
0x32: {  	s10 =	sld [smem:$0x3FAF];
	_ =	sdelay $0x3  }
0x33: {  	p0 =	seq.s32 s10, $0x1;
	s10 =	sld [smem:$0x3FB1];
	_ =	sdelay $0x3  }
0x34: {  	[smem:$0x3FB1] =	sst s10  }
0x35: {  	s10 =	sld [smem:$0x3FB0];
	_ =	sdelay $0x3  }
0x36: {  	p1 =	seq.s32 s10, $0x1;
	s10 =	sld [smem:$0x3FB1];
	_ =	sdelay $0x3  }
0x37: {  	[smem:$0x3FB1] =	sst s10  }
0x38: {  	s10 =	sld [smem:$0x3FB2]  }
0x39: {  	_ = 	snop;
	(pc) =	sbr.ind lr, $3  }
0x3a: {  	_ = 	snop  }
0x3b: {  	_ = 	snop  }
0x3c: {  	p2 =	seq.s32 s10, $0x1;
	s10 =	sld [smem:$0x3FB1]  }
0x3d: {  	_ =	shalt  }
0x3e: {  	_ =	shalt  }
0x3f: {  	_ =	shalt  }
0x40: {  	_ =	shalt  }
0x41: {  	_ =	shalt  }
0x42: {  	_ =	shalt  }
0x43: {  	_ =	shalt  }
0x44: {  	_ =	shalt  }
0x45: {  	_ =	shalt  }
0x46: {  	_ =	shalt  }
0x47: {  	_ =	shalt  }
0x48: {  	_ =	shalt  }
0x49: {  	_ =	shalt  }
0x4a: {  	_ =	shalt  }
0x4b: {  	_ =	shalt  }
0x4c: {  	_ =	shalt  }
0x4d: {  	_ =	shalt  }
0x4e: {  	_ =	shalt  }
0x4f: {  	_ =	shalt  }
0x50: {  	_ =	shalt  }
0x51: {  	_ =	shalt  }
0x52: {  	_ =	shalt  }
0x53: {  	_ =	shalt  }
0x54: {  	_ =	shalt  }
0x55: {  	_ =	shalt  }
0x56: {  	_ =	shalt  }
0x57: {  	_ =	shalt  }
0x58: {  	_ =	shalt  }
0x59: {  	_ =	shalt  }
0x5a: {  	_ =	shalt  }
0x5b: {  	_ =	shalt  }
0x5c: {  	_ =	shalt  }
0x5d: {  	_ =	shalt  }
0x5e: {  	_ =	shalt  }
0x5f: {  	_ =	shalt  }
0x60: {  	_ =	shalt  }
0x61: {  	_ =	shalt  }
0x62: {  	_ =	shalt  }
0x63: {  	_ =	shalt  }
0x64: {  	_ =	shalt  }
0x65: {  	_ =	shalt  }
0x66: {  	_ =	shalt  }
0x67: {  	_ =	shalt  }
0x68: {  	_ =	shalt  }
0x69: {  	_ =	shalt  }
0x6a: {  	_ =	shalt  }
0x6b: {  	_ =	shalt  }
0x6c: {  	_ =	shalt  }
0x6d: {  	_ =	shalt  }
0x6e: {  	_ =	shalt  }
0x6f: {  	_ =	shalt  }
0x70: {  	_ =	shalt  }
0x71: {  	_ =	shalt  }
0x72: {  	_ =	shalt  }
0x73: {  	_ =	shalt  }
0x74: {  	_ =	shalt  }
0x75: {  	_ =	shalt  }
0x76: {  	_ =	shalt  }
0x77: {  	_ =	shalt  }
0x78: {  	_ =	shalt  }
0x79: {  	_ =	shalt  }
0x7a: {  	_ =	shalt  }
0x7b: {  	_ =	shalt  }
0x7c: {  	_ =	shalt  }
0x7d: {  	_ =	shalt  }
0x7e: {  	_ =	shalt  }
0x7f: {  	_ =	shalt  }
0x80: {  	_ =	shalt  }
0x81: {  	_ =	shalt  }
0x82: {  	_ =	shalt  }
0x83: {  	_ =	shalt  }
0x84: {  	_ =	shalt  }
0x85: {  	_ =	shalt  }
0x86: {  	_ =	shalt  }
0x87: {  	_ =	shalt  }
.Lfunc_end0:
.L_simem_size_0:
called_computation.3_lowered:
.L_overlay_start_0:
0x88: {  	s2 =	sld [smem:$0x3FD9]  }
0x89: {  	s3 =	sld [smem:$0x3FFE];
	_ =	sdelay $0x1  }
0x8a: {  	s1 =	srdreg.scid  }
0x8b: {  	s0 =	sand.u32 $0x1, s1  }
0x8c: {  	s16 =	sshll.u32 s0, $0xA;
	s2 =	sadd.s32 s3, s2  }
0x8d: {  	s2 =	sadd.s32 s2, s16  }
0x8e: {  	[smem:$0x3FBD] =	sst s2  }
0x8f: {  	_ = 	snop  }
0x90: {  	(tm) =	ssettm $0x1  }
0x91: {  	s17 =	sld [smem:$0x3FFB];
	_ =	sdelay $0x3  }
0x92: {  	_ =	strace s17  }
0x93: {  	s2 =	sld [smem:$0x3FFC];
	_ =	sdelay $0x3  }
0x94: {  	_ =	strace s2  }
0x95: {  	s2 =	sld [smem:$0x3FFD];
	_ =	sdelay $0x3  }
0x96: {  	_ =	strace s2  }
0x97: {  	_ =	strace $0x8FFFFFFF  }
0x98: {  	s18 =	sld [smem:$0x3FDB];
	_ =	sdelay $0x1  }
0x99: {  	s19 =	simm.s32 $_scs_section_size  }
0x9a: {  	s4 =	simm.s32 $_size__tile_overlayer_lowered;
	s5 =	simm.s32 $_tile_overlayer_lowered  }
0x9b: {  	s22 =	simm.s32 $0x1BFF;
	s21 =	sshll.u32 s5, $0x1;
	s2 =	sadd.s32 s19, s18  }
0x9c: {  	s6 =	simm.s32 $0x0;
	s20 =	sshll.u32 s4, $0x1;
	s4 =	sadd.s32 s21, s2  }
0x9d: {  	[timem:s6], [sflag:s22] =	dma.local [hbm:s4], s20  }
0x9e: {  	_ =	swait.ge [sflag:s22], s20  }
0x9f: {  	s3 =	ssub.s32 $0x0, s20;
	[sflag:s22] =	ssyncset.done $0x0  }
0xa0: {  	[sflag:s22] =	ssyncadd.s32 s3;
	_ =	sdelay $0x1  }
0xa1: {  	s23 =	simm.s32 $0x1B8B  }
0xa2: {  	_ =	swait.ge [sflag:s23], $0x1  }
0xa3: {  	[sflag:s23] =	ssyncset.done $0x0  }
0xa4: {  	s25 =	simm.s32 $0x1B8E;
	s24 =	sld [smem:$0x3FFE];
	[sflag:s23] =	ssyncadd.s32 $0xFFFFFFFF  }
0xa5: {  	s26 =	simm.s32 $execute0_lowered;
	[smem:$0x3FD2] =	sst s25  }
0xa6: {  	s4 =	sshll.u32 s26, $0x1;
	_ =	strace $0x8000004F;
	[dreg:$0x1] =	wrdreg $0xFFFFFFFF  }
0xa7: {  	s28 =	simm.s32 $_size_execute0_lowered;
	s2 =	sadd.s32 s2, s4;
	[dreg:$0x0] =	wrdreg $0x0  }
0xa8: {  	s4 =	sshll.u32 s28, $0x1;
	[dreg:$0x2] =	wrdreg s2  }
0xa9: {  	[dreg:$0x3] =	wrdreg s4  }
0xaa: {  	[dreg:$0x4] =	wrdreg $0xC0  }
0xab: {  	_ =	task [dreg:s6], $0x5FFFF  }
0xac: {  	[dreg:$0x1] =	wrdreg $0xFFFFFFFF  }
0xad: {  	[dreg:$0x0] =	wrdreg $0x60  }
0xae: {  	[dreg:$0x2] =	wrdreg s24  }
0xaf: {  	[dreg:$0x3] =	wrdreg $0x41000  }
0xb0: {  	[dreg:$0x4] =	wrdreg $0x9  }
0xb1: {  	_ =	task.clear_ibuf [dreg:s6], $0x5FFFF;
	_ =	strace $0x9000004F  }
0xb2: {  	s29 =	simm.s32 $0x9;
	_ =	strace $0x80000051  }
0xb3: {  	_ =	swait.ge [sflag:s29], $0x1  }
0xb4: {  	[sflag:s29] =	ssyncadd.s32 $0xFFFFFFFF  }
0xb5: {  	_ =	strace $0x90000051  }
0xb6: {  	_ =	sfence  }
0xb7: {  	s30 =	sld [smem:$0x0];
	_ =	sdelay $0x2  }
0xb8: {  	s31 =	sshll.u32 s1, $0xD;
	s1 =	sshrl.u32 s1, $0x2  }
0xb9: {  	s3 =	sand.u32 $0x4000, s31;
	s1 =	sadd.s32 s1, s30  }
0xba: {  	s0 =	sor.u32 s3, s0;
	s1 =	sshll.u32 s1, $0x11  }
0xbb: {  	s0 =	sor.u32 s1, s0  }
0xbc: {  	s0 =	sadd.s32 $0x8F2B, s0  }
0xbd: {  	[sflag:s0] =	ssyncadd.remote.s32 $0x1  }
0xbe: {  	_ =	sfence.sel $0xFFFF  }
0xbf: {  	[dreg:$0x0] =	wrdreg $0xFFFFFFFF;
	(pc) =	sbr.abs _section_cstart, $3  }
0xc0: {  	[dreg:$0x1] =	wrdreg $0xFFFFFFFF  }
0xc1: {  	_ =	task.clear_ibuf [dreg:s6], $0x2FFFF;
	_ =	strace $0x9FFFFFFF  }
0xc2: {  	(tm) =	ssettm $0x7FFFFFFF  }
0xc3: {  	_ =	shalt  }
tec
execute0_lowered:
.L_overlay_start_1:
0x0: {  	(tag) =	ssettag $0x1  }
0x1: {  	s5 =	rddreg [dreg:$0x0]  }
0x2: {  	s2 =	rddreg [dreg:$0x1]  }
0x3: {  	s0 =	rddreg [dreg:$0x2]  }
0x4: {  	s4 =	srdreg.scid;
	s1 =	stileid.u32;
	s3 =	simm.s32 $0x0  }
0x5: {  	s13 =	simm.s32 $0x80;
	s14 =	simm.s32 $0x100;
	s7 =	smul.u32 $0x13C00, s1  }
0x6: {  	s15 =	simm.s32 $0x1;
	s16 =	simm.s32 $0x0;
	s11 =	smul.u32 $0x4F000, s1  }
0x7: {  	s6 =	sand.u32 $0x1, s4;
	[smem:$0x7FF] =	sst s3;
	s30 =	smul.u32 $0x4F0, s1  }
0x8: {  	s4 =	sadd.s32 $0xCE00, s5;
	s31 =	sshll.u32 s1, $0x6;
	s8 =	smul.u32 $0x13C000, s6  }
0x9: {  	_ =	strace $0x80000050;
	s9 =	smul.u32 $0x4F00, s6;
	s6 =	ssub.s32 $0x2, s6  }
0xa: {  	s10 =	sshrl.u32 s6, $0x1;
	s28 =	sshrl.u32 s11, $0x2;
	s29 =	sshrl.u32 s7, $0x3  }
0xb: {  	s8 =	sadd.s32 s7, s8;
	s9 =	sadd.s32 s9, s5;
	s10 =	ssub.s32 s6, s10  }
0xc: {  	s12 =	sadd.s32 s28, s2;
	s6 =	sor.u32 $0x1C02, s31;
	s8 =	sshrl.u32 s8, $0x3  }
0xd: {  	s11 =	sadd.s32 s30, s9;
	s8 =	sadd.s32 s8, s5;
	s5 =	sadd.s32 s4, s29  }
0xe: {  	s9 =	sadd.s32 $0x3000, s11;
	s7 =	sadd.s32 $0x68C00, s8;
	s8 =	smax.u32 s10, $0x1  }
0xf: {  	s10 =	sadd.s32 $0x5EE00, s11;
	s11 =	sshrl.u32 s12, $0x3;
	s12 =	simm.s32 $0x2  }
.LBB2_1:
0x10: {  	[spmem:s11], [sflag:s6] =	dma.local [hbm:s5], $0x2780  }
0x11: {  	_ =	swait.ge [sflag:s12], $0x2780  }
0x12: {  	[sflag:s12] =	ssyncset.done $0x0  }
0x13: {  	[sflag:s12] =	ssyncadd.s32 $0xFFFFD880  }
0x14: {  	s17 =	sadd.s32 $0x0, s10;
	[bflag:$0x0] =	sbarrier.arrive $0xFFFF  }
0x15: {  	[tilespmem:s3], [sflag:$0x2] =	stream.linear.gather [hbm4b:s17+s3], $0x80, $0x38;
	[tilespmem:$0x17D00] =	vst v63  }
0x16: {  	_ =	swait.ge [sflag:s12], $0x80  }
0x17: {  	[sflag:s12] =	ssyncset.done $0x0  }
0x18: {  	s31 =	sadd.s32 $0x0, s9;
	[sflag:s12] =	ssyncadd.s32 $0xFFFFFF80  }
0x19: {  	[tilespmem:s13], [sflag:$0x2] =	stream.linear.gather [hbm4b:s31+s3], $0x80, $0x38;
	[tilespmem:$0x17D00] =	vst v63  }
0x1a: {  	_ =	swait.ge [sflag:s12], $0x80  }
0x1b: {  	[sflag:s12] =	ssyncset.done $0x0  }
0x1c: {  	[sflag:s12] =	ssyncadd.s32 $0xFFFFFF80  }
0x1d: {  	[tilespmem:s14], [sflag:$0x1] =	stream.indirect.gather [hbm4b:s4+s13], $0x80, s3, s13, $0xb8;
	[tilespmem:$0x17D00] =	vst v63  }
0x1e: {  	_ =	swait.ge [sflag:s15], $0x4000  }
0x1f: {  	[sflag:s15] =	ssyncset.done $0x0  }
0x20: {  	[sflag:s15] =	ssyncadd.s32 $0xFFFFC000  }
0x21: {  	[spmem:s2] =	stream.indirect.scatter.add.f32 [tilespmem:s14], [sflag:$0x2], $0x80, s13, s13, $0xb8;
	[tilespmem:$0x17D00] =	vst v63  }
0x22: {  	_ =	swait.ge [sflag:s12], $0x4000  }
0x23: {  	s18 =	simm.s32 $0x20;
	s17 =	simm.s32 $0x10;
	[sflag:s12] =	ssyncset.done $0x0  }
.LBB2_2:
0x24: {  	s19 =	sadd.s32 s17, s10  }
0x25: {  	[sflag:s12] =	ssyncadd.s32 $0xFFFFC000;
	s20 =	smov.u32 s18;
	s21 =	sadd.s32 $0x10, s18  }
0x26: {  	[tilespmem:s3], [sflag:$0x2] =	stream.linear.gather [hbm4b:s19+s3], $0x80, $0x38;
	[tilespmem:$0x17D00] =	vst v63  }
0x27: {  	p0 =	sne.s32 s18, $0x4E0;
	_ =	swait.ge [sflag:s12], $0x80  }
0x28: {  	[sflag:s12] =	ssyncset.done $0x0  }
0x29: {  	s18 =	sadd.s32 s17, s9;
	s17 =	smov.u32 s20;
	[sflag:s12] =	ssyncadd.s32 $0xFFFFFF80  }
0x2a: {  	[tilespmem:s13], [sflag:$0x2] =	stream.linear.gather [hbm4b:s18+s3], $0x80, $0x38;
	[tilespmem:$0x17D00] =	vst v63  }
0x2b: {  	_ =	swait.ge [sflag:s12], $0x80  }
0x2c: {  	[sflag:s12] =	ssyncset.done $0x0  }
0x2d: {  	[sflag:s12] =	ssyncadd.s32 $0xFFFFFF80  }
0x2e: {  	[tilespmem:s14], [sflag:$0x1] =	stream.indirect.gather [hbm4b:s4+s13], $0x80, s3, s13, $0xb8;
	[tilespmem:$0x17D00] =	vst v63  }
0x2f: {  	_ =	swait.ge [sflag:s15], $0x4000  }
.Ltmp0:
0x30: {  	[sflag:s15] =	ssyncset.done $0x0;
	(pc) =	sbr.rel @p0 .LBB2_2-.Ltmp0, $4  }
0x31: {  	[sflag:s15] =	ssyncadd.s32 $0xFFFFC000  }
0x32: {  	[spmem:s2] =	stream.indirect.scatter.add.f32 [tilespmem:s14], [sflag:$0x2], $0x80, s13, s13, $0xb8;
	[tilespmem:$0x17D00] =	vst v63  }
0x33: {  	_ =	swait.ge [sflag:s12], $0x4000  }
0x34: {  	s18 =	smov.u32 s21;
	[sflag:s12] =	ssyncset.done $0x0  }
0x35: {  	s18 =	sadd.s32 s17, s10;
	[sflag:s12] =	ssyncadd.s32 $0xFFFFC000  }
0x36: {  	[tilespmem:s3], [sflag:$0x2] =	stream.linear.gather [hbm4b:s18+s3], $0x80, $0x38;
	[tilespmem:$0x17D00] =	vst v63  }
0x37: {  	_ =	swait.ge [sflag:s12], $0x80  }
0x38: {  	[sflag:s12] =	ssyncset.done $0x0  }
0x39: {  	s31 =	sadd.s32 s17, s9;
	[sflag:s12] =	ssyncadd.s32 $0xFFFFFF80  }
0x3a: {  	[tilespmem:s13], [sflag:$0x2] =	stream.linear.gather [hbm4b:s31+s3], $0x80, $0x38;
	[tilespmem:$0x17D00] =	vst v63  }
0x3b: {  	_ =	swait.ge [sflag:s12], $0x80  }
0x3c: {  	[sflag:s12] =	ssyncset.done $0x0  }
0x3d: {  	[sflag:s12] =	ssyncadd.s32 $0xFFFFFF80  }
0x3e: {  	[tilespmem:s14], [sflag:$0x1] =	stream.indirect.gather [hbm4b:s4+s13], $0x80, s3, s13, $0xb8;
	[tilespmem:$0x17D00] =	vst v63  }
0x3f: {  	_ =	swait.ge [sflag:s15], $0x4000  }
0x40: {  	[sflag:s15] =	ssyncset.done $0x0  }
0x41: {  	[sflag:s15] =	ssyncadd.s32 $0xFFFFC000  }
0x42: {  	[spmem:s2] =	stream.indirect.scatter.add.f32 [tilespmem:s14], [sflag:$0x2], $0x80, s13, s13, $0xb8;
	[tilespmem:$0x17D00] =	vst v63  }
0x43: {  	_ =	swait.ge [sflag:s12], $0x4000  }
0x44: {  	s16 =	sadd.s32 $0x1, s16;
	[sflag:s12] =	ssyncset.done $0x0  }
0x45: {  	p0 =	sne.s32 s16, s8;
	[sflag:s12] =	ssyncadd.s32 $0xFFFFC000  }
.Ltmp1:
0x46: {  	[bflag:$0x0] =	sbarrier.arrive $0xFFFF;
	(pc) =	sbr.rel @p0 .LBB2_1-.Ltmp1, $4  }
0x47: {  	[hbm:s7], [sflag:s6] =	dma.local [spmem:s11], $0x2780  }
0x48: {  	_ =	swait.ge [sflag:s12], $0x2780  }
0x49: {  	[sflag:s12] =	ssyncset.done $0x0  }
0x4a: {  	[sflag:s12] =	ssyncadd.s32 $0xFFFFD880  }
0x4b: {  	_ =	sfence.sel $0x180000  }
0x4c: {  	[bflag:$0x0] =	sbarrier.arrive $0xFFFF  }
0x4d: {  	p0 =	sne.s32 s1, $0x0;
	_ =	strace $0x90000050  }
0x4e: {  	s0 =	sadd.s32 @!p0 $0x100000, s0;
	[bflag:$0x2] =	sbarrier.arrive $0xFFFF  }
0x4f: {  	[sflag:s0] =	ssyncadd.tile.s32 @!p0 $0x1;
	_ =	shalt  }
.Lfunc_end2:
_tile_overlayer_lowered:
.L_overlay_start_2:
0x50: {  	(tag) =	ssettag $0x2  }
0x51: {  	s0 =	rddreg [dreg:$0x0];
	s2 =	stileid.u32  }
0x52: {  	s1 =	rddreg [dreg:$0x1];
	p0 =	sne.s32 s2, $0x0  }
0x53: {  	s3 =	rddreg [dreg:$0x2];
	[bflag:$0x3] =	sbarrier.arrive $0xFFFF;
	s2 =	simm.s32 @!p0 $0x1C02  }
0x54: {  	[timem:s3], [sflag:s2] =	dma.local @!p0 [hbm:s0], s1  }
0x55: {  	s0 =	simm.s32 @!p0 $0x2  }
0x56: {  	_ =	swait.ge @!p0 [sflag:s0], s1  }
0x57: {  	s1 =	ssub.s32 @!p0 $0x0, s1;
	[sflag:s0] =	ssyncset.done @!p0 $0x0  }
0x58: {  	[sflag:s0] =	ssyncadd.s32 @!p0 s1  }
0x59: {  	[bflag:$0x3] =	sbarrier.arrive $0xFFFF  }
0x5a: {  	_ =	shalt  }

</sc_bundles>
